<compile_context>
chip_gen: v7x
topology: tpu7x:2x2x1
jax: 0.10.2.dev20260603
libtpu: 0.0.44.dev20260713+nightly
codegen_flags: <defaults>
</compile_context>

<pallas_src>
import functools

import jax
import jax.numpy as jnp
from jax import lax
from jax.experimental import pallas as pl
from jax.experimental.pallas import tpu as pltpu
from jax.experimental.pallas import tpu_sc as plsc

N = 10000
E = 320000
D_IN = 128
H = 16
R = 237

LANES = 128
CHUNK_E = 1024
NCORES = 2
NSUB = 16
NTILES = NCORES * NSUB
E_PAD = 327680
EDGES_PER_TILE = E_PAD // NTILES
N_CHUNKS = EDGES_PER_TILE // CHUNK_E
ACC_ROWS = 10240
ZROWS = ACC_ROWS // NSUB


def _make_seg_sum(with_deg):
    mesh = plsc.VectorSubcoreMesh(core_axis_name="c", subcore_axis_name="s")
    out_type = [jax.ShapeDtypeStruct((NCORES, ACC_ROWS, H), jnp.float32)]
    if with_deg:
        out_type.append(jax.ShapeDtypeStruct((NCORES, ACC_ROWS), jnp.float32))
    scratch_types = [
        pltpu.VMEM((CHUNK_E,), jnp.int32),
        pltpu.VMEM((CHUNK_E,), jnp.int32),
        pltpu.VMEM((CHUNK_E,), jnp.int32),
        pltpu.VMEM((CHUNK_E,), jnp.int32),
        pltpu.VMEM((CHUNK_E, H), jnp.float32),
        pltpu.VMEM((CHUNK_E, H), jnp.float32),
        pltpu.VMEM((CHUNK_E,), jnp.float32),
        pltpu.VMEM_SHARED((ACC_ROWS, H), jnp.float32),
        pltpu.VMEM_SHARED((ACC_ROWS, H), jnp.float32),
        pltpu.VMEM_SHARED((ACC_ROWS,), jnp.float32),
        pltpu.SemaphoreType.DMA,
        pltpu.SemaphoreType.DMA,
    ]

    def body(p_hbm, src_hbm, dst_hbm, zeros_hbm, zeros1_hbm, ones_hbm, *rest):
        if with_deg:
            acc_out, deg_out = rest[0], rest[1]
            scr = rest[2:]
        else:
            acc_out = rest[0]
            deg_out = None
            scr = rest[1:]
        (src_a, src_b, dst_a, dst_b, rows_a, rows_b, ones_v,
         p_s, acc_s, dacc_s, sem_g, sem_s) = scr
        cid = lax.axis_index("c")
        sid = lax.axis_index("s")
        wid = cid * NSUB + sid
        e0 = wid * EDGES_PER_TILE

        def load_idx(src_v, dst_v, g):
            base = e0 + g * CHUNK_E
            pltpu.sync_copy(src_hbm.at[pl.ds(base, CHUNK_E)], src_v)
            pltpu.sync_copy(dst_hbm.at[pl.ds(base, CHUNK_E)], dst_v)

        def fire_gather(src_v, rows_v):
            pltpu.async_copy(p_s.at[src_v], rows_v, sem_g)

        def load_and_fire(src_v, dst_v, rows_v, g):
            load_idx(src_v, dst_v, g)
            fire_gather(src_v, rows_v)

        def drain_gather(src_v, rows_v):
            pltpu.make_async_copy(p_s.at[src_v], rows_v, sem_g).wait()

        def fire_scatter(rows_v, dst_v):
            pltpu.async_copy(rows_v, acc_s.at[dst_v], sem_s, add=True)
            if with_deg:
                pltpu.async_copy(ones_v, dacc_s.at[dst_v], sem_s, add=True)

        def drain_scatter(rows_v, dst_v):
            pltpu.make_async_copy(rows_v, acc_s.at[dst_v], sem_s).wait()
            if with_deg:
                pltpu.make_async_copy(ones_v, dacc_s.at[dst_v], sem_s).wait()

        load_idx(src_a, dst_a, 0)
        if with_deg:
            pltpu.sync_copy(ones_hbm, ones_v)

        z0 = sid * ZROWS
        pltpu.sync_copy(p_hbm.at[pl.ds(z0, ZROWS)], p_s.at[pl.ds(z0, ZROWS)])
        pltpu.sync_copy(zeros_hbm, acc_s.at[pl.ds(z0, ZROWS)])
        if with_deg:
            pltpu.sync_copy(zeros1_hbm, dacc_s.at[pl.ds(z0, ZROWS)])
        plsc.subcore_barrier()
        fire_gather(src_a, rows_a)

        def step(g2, carry):
            c = g2 * 2
            drain_gather(src_a, rows_a)

            @pl.when(c > 0)
            def _():
                drain_scatter(rows_b, dst_b)

            load_and_fire(src_b, dst_b, rows_b, c + 1)
            fire_scatter(rows_a, dst_a)
            drain_gather(src_b, rows_b)
            drain_scatter(rows_a, dst_a)

            @pl.when(c + 2 < N_CHUNKS)
            def _():
                load_and_fire(src_a, dst_a, rows_a, c + 2)

            fire_scatter(rows_b, dst_b)
            return carry

        lax.fori_loop(0, N_CHUNKS // 2, step, 0)
        drain_scatter(rows_b, dst_b)
        plsc.subcore_barrier()

        pltpu.sync_copy(acc_s.at[pl.ds(z0, ZROWS)],
                        acc_out.at[cid, pl.ds(z0, ZROWS)])
        if with_deg:
            pltpu.sync_copy(dacc_s.at[pl.ds(z0, ZROWS)],
                            deg_out.at[cid, pl.ds(z0, ZROWS)])
        return None

    return pl.kernel(body, out_type=out_type, mesh=mesh,
                     scratch_types=scratch_types,
                     compiler_params=pltpu.CompilerParams(
                         use_tc_tiling_on_sc=False))


_seg_sum_deg = _make_seg_sum(True)
_seg_sum = _make_seg_sum(False)


NP = ACC_ROWS // 8
BP = NP // 5
BNODE = BP * 8


def _dotT(a, w):
    return lax.dot_general(a, w, (((1,), (1,)), ((), ())),
                           preferred_element_type=jnp.float32)


def _stage1_body(x_ref, wl_ref, wr_ref, p_ref, q_ref):
    xb = x_ref[...]
    wl = wl_ref[...]
    wr = wr_ref[...]
    p_ref[...] = jnp.concatenate(
        [_dotT(xb[:, a, :], wl) for a in range(8)], axis=1)
    q_ref[...] = jnp.concatenate(
        [_dotT(xb[:, a, :], wr) for a in range(8)], axis=1)


def _tc_stage1(x3, wl, wr):
    return pl.pallas_call(
        _stage1_body,
        grid=(5,),
        in_specs=[
            pl.BlockSpec((BP, 8, D_IN), lambda i: (i, 0, 0)),
            pl.BlockSpec((H, D_IN), lambda i: (0, 0)),
            pl.BlockSpec((H, D_IN), lambda i: (0, 0)),
        ],
        out_specs=[pl.BlockSpec((BP, 128), lambda i: (i, 0))] * 2,
        out_shape=[jax.ShapeDtypeStruct((NP, 128), jnp.float32)] * 2,
    )(x3, wl, wr)


_PK = pl.BlockSpec((BP, 128), lambda i: (i, 0))
_A0 = pl.BlockSpec((1, BP, 128), lambda i: (0, i, 0))
_A1 = pl.BlockSpec((1, BP, 128), lambda i: (1, i, 0))
_B = pl.BlockSpec((1, 128), lambda i: (0, 0))
_K = pl.BlockSpec((128, 128), lambda i: (0, 0))


_D0 = pl.BlockSpec((1, BP, 8), lambda i: (0, i, 0))
_D1 = pl.BlockSpec((1, BP, 8), lambda i: (1, i, 0))


def _mid_first_body(a0_ref, a1_ref, d0_ref, d1_ref, q_ref, b_ref, kl_ref,
                    kr_ref, k8_ref, p2_ref, q2_ref, rdeg_ref):
    dexp = jnp.dot(d0_ref[0] + d1_ref[0], k8_ref[...],
                   preferred_element_type=jnp.float32)
    rdeg = 1.0 / jnp.maximum(dexp, 1.0)
    h = jnp.maximum((a0_ref[0] + a1_ref[0]) * rdeg + b_ref[...] + q_ref[...],
                    0.0)
    p2_ref[...] = jnp.dot(h, kl_ref[...], preferred_element_type=jnp.float32)
    q2_ref[...] = jnp.dot(h, kr_ref[...], preferred_element_type=jnp.float32)
    rdeg_ref[...] = rdeg


def _tc_mid_first(accp, deg3, q, b, kl, kr, k8):
    return pl.pallas_call(
        _mid_first_body,
        grid=(5,),
        in_specs=[_A0, _A1, _D0, _D1, _PK, _B, _K, _K,
                  pl.BlockSpec((8, 128), lambda i: (0, 0))],
        out_specs=[_PK, _PK, _PK],
        out_shape=[jax.ShapeDtypeStruct((NP, 128), jnp.float32)] * 3,
    )(accp, accp, deg3, deg3, q, b, kl, kr, k8)


def _mid_body(a0_ref, a1_ref, rdeg_ref, q_ref, b_ref, kl_ref, kr_ref,
              p3_ref, q3_ref):
    h = jnp.maximum((a0_ref[0] + a1_ref[0]) * rdeg_ref[...]
                    + b_ref[...] + q_ref[...], 0.0)
    p3_ref[...] = jnp.dot(h, kl_ref[...], preferred_element_type=jnp.float32)
    q3_ref[...] = jnp.dot(h, kr_ref[...], preferred_element_type=jnp.float32)


def _tc_mid(accp, rdeg, q, b, kl, kr):
    return pl.pallas_call(
        _mid_body,
        grid=(5,),
        in_specs=[_A0, _A1, _PK, _PK, _B, _K, _K],
        out_specs=[_PK, _PK],
        out_shape=[jax.ShapeDtypeStruct((NP, 128), jnp.float32)] * 2,
    )(accp, accp, rdeg, q, b, kl, kr)


def _h3_body(a0_ref, a1_ref, rdeg_ref, q_ref, b_ref, h_ref):
    h_ref[...] = ((a0_ref[0] + a1_ref[0]) * rdeg_ref[...]
                  + b_ref[...] + q_ref[...])


def _tc_h3(accp, rdeg, q, b):
    return pl.pallas_call(
        _h3_body,
        grid=(5,),
        in_specs=[_A0, _A1, _PK, _PK, _B],
        out_specs=_PK,
        out_shape=jax.ShapeDtypeStruct((NP, 128), jnp.float32),
    )(accp, accp, rdeg, q, b)


def _fc_body(h_ref, wfc_ref, bfc_ref, out_ref):
    out_ref[...] = _dotT(h_ref[...], wfc_ref[...]) + bfc_ref[...]


def _tc_fc(hu, wfc, bfc):
    return pl.pallas_call(
        _fc_body,
        grid=(5,),
        in_specs=[pl.BlockSpec((N // 5, H), lambda i: (i, 0)),
                  pl.BlockSpec((R, H), lambda i: (0, 0)),
                  pl.BlockSpec((1, R), lambda i: (0, 0))],
        out_specs=pl.BlockSpec((N // 5, R), lambda i: (i, 0)),
        out_shape=jax.ShapeDtypeStruct((N, R), jnp.float32),
    )(hu, wfc, bfc)


@jax.jit
def kernel(x, edge_index, W1l, b1l, W1r, W2l, b2l, W2r, W3l, b3l, W3r, Wfc, bfc):
    pad = E_PAD - E
    src1d = jnp.concatenate([edge_index[0], jnp.zeros((pad,), jnp.int32)])
    dst1d = jnp.concatenate([edge_index[1], jnp.full((pad,), N, jnp.int32)])
    zeros_c = jnp.zeros((ZROWS, H), jnp.float32)
    zeros1_c = jnp.zeros((ZROWS,), jnp.float32)
    ones_c = jnp.ones((CHUNK_E,), jnp.float32)
    eye8 = jnp.eye(8, dtype=jnp.float32)
    k8 = jnp.kron(eye8, jnp.ones((1, H), jnp.float32))
    k2l, k2r = jnp.kron(eye8, W2l.T), jnp.kron(eye8, W2r.T)
    k3l, k3r = jnp.kron(eye8, W3l.T), jnp.kron(eye8, W3r.T)
    b1p = jnp.tile(b1l, 8).reshape(1, 128)
    b2p = jnp.tile(b2l, 8).reshape(1, 128)
    b3p = jnp.tile(b3l, 8).reshape(1, 128)

    p1, q1 = _tc_stage1(x.reshape(N // 8, 8, D_IN), W1l, W1r)
    acc1, deg = _seg_sum_deg(p1.reshape(ACC_ROWS, H), src1d, dst1d,
                             zeros_c, zeros1_c, ones_c)
    p2, q2, rdeg = _tc_mid_first(acc1.reshape(NCORES, NP, 128),
                                 deg.reshape(NCORES, NP, 8),
                                 q1, b1p, k2l, k2r, k8)
    acc2 = _seg_sum(p2.reshape(ACC_ROWS, H), src1d, dst1d,
                    zeros_c, zeros1_c, ones_c)[0]
    p3, q3 = _tc_mid(acc2.reshape(NCORES, NP, 128), rdeg, q2, b2p, k3l, k3r)
    acc3 = _seg_sum(p3.reshape(ACC_ROWS, H), src1d, dst1d,
                    zeros_c, zeros1_c, ones_c)[0]
    h3 = _tc_h3(acc3.reshape(NCORES, NP, 128), rdeg, q3, b3p)
    return _tc_fc(h3.reshape(ACC_ROWS, H), Wfc, bfc.reshape(1, R))

# --- scband reference (transcript-rebuilt; emitter-appended) ---
"""Pipeline reference for scband-graph-sage-27419071218491 (READ-ONLY COPY).

The authoritative reference and input builder live on the scoring server;
editing this copy changes nothing except your own understanding.
"""

import jax, jax.numpy as jnp
import numpy as np

N = 10000
E = 320000
D_IN = 128
H = 16
R = 237


def setup_inputs(seed: int = 0) -> dict:
    key = jax.random.key(seed)
    ks = jax.random.split(key, 16)
    x = jax.random.normal(ks[0], (N, D_IN), dtype=jnp.float32)
    edge_index = jax.random.randint(ks[1], (2, E), 0, N, dtype=jnp.int32)
    def lin(k, out_d, in_d):
        return jax.random.normal(k, (out_d, in_d), dtype=jnp.float32) / np.sqrt(in_d)
    inp = {
        "x": x,
        "edge_index": edge_index,
        "W1l": lin(ks[2], H, D_IN), "b1l": jnp.zeros((H,), jnp.float32), "W1r": lin(ks[3], H, D_IN),
        "W2l": lin(ks[4], H, H), "b2l": jnp.zeros((H,), jnp.float32), "W2r": lin(ks[5], H, H),
        "W3l": lin(ks[6], H, H), "b3l": jnp.zeros((H,), jnp.float32), "W3r": lin(ks[7], H, H),
        "Wfc": lin(ks[8], R, H), "bfc": jnp.zeros((R,), jnp.float32),
    }
    return inp


def _sage_conv(x, edge_index, Wl, bl, Wr):
    # PyG SAGEConv with mean aggregation: lin_l(mean_{j in N(i)} x_j) + lin_r(x_i)
    src = edge_index[0]
    dst = edge_index[1]
    msgs = jnp.take(x, src, axis=0)
    agg = jax.ops.segment_sum(msgs, dst, num_segments=N)
    deg = jax.ops.segment_sum(jnp.ones((edge_index.shape[1],), x.dtype), dst, num_segments=N)
    mean = agg / jnp.maximum(deg, 1.0)[:, None]
    return mean @ Wl.T + bl + x @ Wr.T


def reference(x, edge_index, W1l, b1l, W1r, W2l, b2l, W2r, W3l, b3l, W3r, Wfc, bfc):
    h = jax.nn.relu(_sage_conv(x, edge_index, W1l, b1l, W1r))
    # dropout is identity in eval mode
    h = jax.nn.relu(_sage_conv(h, edge_index, W2l, b2l, W2r))
    h = _sage_conv(h, edge_index, W3l, b3l, W3r)
    tail_scores = h @ Wfc.T + bfc
    return tail_scores

if __name__ == "__main__":
    import jax
    _d = setup_inputs()
    print(jax.jit(kernel)(*tuple(_d.values())))

</pallas_src>

<mosaic_0001>
#map = affine_map<(d0, d1) -> (0, 0)>
#map1 = affine_map<(d0, d1) -> (0)>
#map2 = affine_map<(d0, d1) -> (0, 0, 0)>
module attributes {stable_mosaic.version = 14 : i64} {
  func.func @body(%arg0: i32, %arg1: i32, %arg2: memref<10240x16xf32, #tpu.memory_space<hbm>>, %arg3: memref<327680xi32, #tpu.memory_space<hbm>>, %arg4: memref<327680xi32, #tpu.memory_space<hbm>>, %arg5: memref<640x16xf32, #tpu.memory_space<hbm>>, %arg6: memref<640xf32, #tpu.memory_space<hbm>>, %arg7: memref<1024xf32, #tpu.memory_space<hbm>>, %arg8: memref<2x10240x16xf32, #tpu.memory_space<hbm>>, %arg9: memref<2x10240xf32, #tpu.memory_space<hbm>>, %arg10: memref<1024xi32, #tpu.memory_space<vmem>>, %arg11: memref<1024xi32, #tpu.memory_space<vmem>>, %arg12: memref<1024xi32, #tpu.memory_space<vmem>>, %arg13: memref<1024xi32, #tpu.memory_space<vmem>>, %arg14: memref<1024x16xf32, #tpu.memory_space<vmem>>, %arg15: memref<1024x16xf32, #tpu.memory_space<vmem>>, %arg16: memref<1024xf32, #tpu.memory_space<vmem>>, %arg17: memref<10240x16xf32, #tpu.memory_space<vmem_shared>>, %arg18: memref<10240x16xf32, #tpu.memory_space<vmem_shared>>, %arg19: memref<10240xf32, #tpu.memory_space<vmem_shared>>, %arg20: memref<!tpu.dma_semaphore, #tpu.memory_space<semaphore_mem>>, %arg21: memref<!tpu.dma_semaphore, #tpu.memory_space<semaphore_mem>>) attributes {dimension_semantics = [#tpu.dimension_semantics<core_parallel>, #tpu.dimension_semantics<subcore_parallel>], iteration_bounds = array<i64: 2, 16>, scalar_prefetch = 0 : i64, scratch_operands = 12 : i64, tpu.core_type = #tpu.core_type<sc_vector_subcore>, window_params = [{transform_indices = #map}, {transform_indices = #map1}, {transform_indices = #map1}, {transform_indices = #map}, {transform_indices = #map1}, {transform_indices = #map1}, {transform_indices = #map2}, {transform_indices = #map}]} {
    %mul3A = arith.constant 16 : i32
    %mul3A_0 = arith.muli %arg0, %mul3A : i32
    %add3A = arith.addi %mul3A_0, %arg1 : i32
    %mul3A_1 = arith.constant 10240 : i32
    %mul3A_2 = arith.muli %add3A, %mul3A_1 : i32
    %add3A_3 = arith.constant 0 : i32
    %add3A_4 = arith.addi %mul3A_2, %add3A_3 : i32
    "tpu.region"() ({
      %run_scoped3A = tpu.sem_alloc : memref<!tpu.dma_semaphore, #tpu.memory_space<semaphore_mem>>
      %dma_start3A_19 = tpu.memref_slice %arg3[%add3A_4] : memref<327680xi32, #tpu.memory_space<hbm>> -> memref<1024xi32, #tpu.memory_space<hbm>>
      %dma_start3A_20 = tpu.memref_slice %arg3[%add3A_4] : memref<327680xi32, #tpu.memory_space<hbm>> -> memref<1024xi32, #tpu.memory_space<hbm>>
      tpu.enqueue_dma source(%dma_start3A_20 : memref<1024xi32, #tpu.memory_space<hbm>>) target(%arg10 : memref<1024xi32, #tpu.memory_space<vmem>>) target_semaphore(%run_scoped3A : memref<!tpu.dma_semaphore, #tpu.memory_space<semaphore_mem>>)
      %dma_wait3A_21 = tpu.memref_slice %arg3[%add3A_4] : memref<327680xi32, #tpu.memory_space<hbm>> -> memref<1024xi32, #tpu.memory_space<hbm>>
      %dma_wait3A_22 = tpu.memref_slice %arg3[%add3A_4] : memref<327680xi32, #tpu.memory_space<hbm>> -> memref<1024xi32, #tpu.memory_space<hbm>>
      tpu.wait_dma2 semaphore(%run_scoped3A : memref<!tpu.dma_semaphore, #tpu.memory_space<semaphore_mem>>) src(%dma_wait3A_22 : memref<1024xi32, #tpu.memory_space<hbm>>) dst(%arg10 : memref<1024xi32, #tpu.memory_space<vmem>>)
      tpu.yield
    }) : () -> ()
    "tpu.region"() ({
      %run_scoped3A = tpu.sem_alloc : memref<!tpu.dma_semaphore, #tpu.memory_space<semaphore_mem>>
      %dma_start3A_19 = tpu.memref_slice %arg4[%add3A_4] : memref<327680xi32, #tpu.memory_space<hbm>> -> memref<1024xi32, #tpu.memory_space<hbm>>
      %dma_start3A_20 = tpu.memref_slice %arg4[%add3A_4] : memref<327680xi32, #tpu.memory_space<hbm>> -> memref<1024xi32, #tpu.memory_space<hbm>>
      tpu.enqueue_dma source(%dma_start3A_20 : memref<1024xi32, #tpu.memory_space<hbm>>) target(%arg12 : memref<1024xi32, #tpu.memory_space<vmem>>) target_semaphore(%run_scoped3A : memref<!tpu.dma_semaphore, #tpu.memory_space<semaphore_mem>>)
      %dma_wait3A_21 = tpu.memref_slice %arg4[%add3A_4] : memref<327680xi32, #tpu.memory_space<hbm>> -> memref<1024xi32, #tpu.memory_space<hbm>>
      %dma_wait3A_22 = tpu.memref_slice %arg4[%add3A_4] : memref<327680xi32, #tpu.memory_space<hbm>> -> memref<1024xi32, #tpu.memory_space<hbm>>
      tpu.wait_dma2 semaphore(%run_scoped3A : memref<!tpu.dma_semaphore, #tpu.memory_space<semaphore_mem>>) src(%dma_wait3A_22 : memref<1024xi32, #tpu.memory_space<hbm>>) dst(%arg12 : memref<1024xi32, #tpu.memory_space<vmem>>)
      tpu.yield
    }) : () -> ()
    "tpu.region"() ({
      %run_scoped3A = tpu.sem_alloc : memref<!tpu.dma_semaphore, #tpu.memory_space<semaphore_mem>>
      tpu.enqueue_dma source(%arg7 : memref<1024xf32, #tpu.memory_space<hbm>>) target(%arg16 : memref<1024xf32, #tpu.memory_space<vmem>>) target_semaphore(%run_scoped3A : memref<!tpu.dma_semaphore, #tpu.memory_space<semaphore_mem>>)
      tpu.wait_dma2 semaphore(%run_scoped3A : memref<!tpu.dma_semaphore, #tpu.memory_space<semaphore_mem>>) src(%arg7 : memref<1024xf32, #tpu.memory_space<hbm>>) dst(%arg16 : memref<1024xf32, #tpu.memory_space<vmem>>)
      tpu.yield
    }) : () -> ()
    %mul3A_5 = arith.constant 640 : i32
    %mul3A_6 = arith.muli %arg1, %mul3A_5 : i32
    "tpu.region"() ({
      %run_scoped3A = tpu.sem_alloc : memref<!tpu.dma_semaphore, #tpu.memory_space<semaphore_mem>>
      %dma_start3A_19 = arith.constant 0 : i32
      %dma_start3A_20 = tpu.memref_slice %arg17[%mul3A_6, %dma_start3A_19] : memref<10240x16xf32, #tpu.memory_space<vmem_shared>> -> memref<640x16xf32, #tpu.memory_space<vmem_shared>>
      %dma_start3A_21 = arith.constant 0 : i32
      %dma_start3A_22 = tpu.memref_slice %arg2[%mul3A_6, %dma_start3A_21] : memref<10240x16xf32, #tpu.memory_space<hbm>> -> memref<640x16xf32, #tpu.memory_space<hbm>>
      tpu.enqueue_dma source(%dma_start3A_22 : memref<640x16xf32, #tpu.memory_space<hbm>>) target(%dma_start3A_20 : memref<640x16xf32, #tpu.memory_space<vmem_shared>>) target_semaphore(%run_scoped3A : memref<!tpu.dma_semaphore, #tpu.memory_space<semaphore_mem>>)
      %dma_wait3A_23 = arith.constant 0 : i32
      %dma_wait3A_24 = tpu.memref_slice %arg17[%mul3A_6, %dma_wait3A_23] : memref<10240x16xf32, #tpu.memory_space<vmem_shared>> -> memref<640x16xf32, #tpu.memory_space<vmem_shared>>
      %dma_wait3A_25 = arith.constant 0 : i32
      %dma_wait3A_26 = tpu.memref_slice %arg2[%mul3A_6, %dma_wait3A_25] : memref<10240x16xf32, #tpu.memory_space<hbm>> -> memref<640x16xf32, #tpu.memory_space<hbm>>
      tpu.wait_dma2 semaphore(%run_scoped3A : memref<!tpu.dma_semaphore, #tpu.memory_space<semaphore_mem>>) src(%dma_wait3A_26 : memref<640x16xf32, #tpu.memory_space<hbm>>) dst(%dma_wait3A_24 : memref<640x16xf32, #tpu.memory_space<vmem_shared>>)
      tpu.yield
    }) : () -> ()
    "tpu.region"() ({
      %run_scoped3A = tpu.sem_alloc : memref<!tpu.dma_semaphore, #tpu.memory_space<semaphore_mem>>
      %dma_start3A_19 = arith.constant 0 : i32
      %dma_start3A_20 = tpu.memref_slice %arg18[%mul3A_6, %dma_start3A_19] : memref<10240x16xf32, #tpu.memory_space<vmem_shared>> -> memref<640x16xf32, #tpu.memory_space<vmem_shared>>
      tpu.enqueue_dma source(%arg5 : memref<640x16xf32, #tpu.memory_space<hbm>>) target(%dma_start3A_20 : memref<640x16xf32, #tpu.memory_space<vmem_shared>>) target_semaphore(%run_scoped3A : memref<!tpu.dma_semaphore, #tpu.memory_space<semaphore_mem>>)
      %dma_wait3A_21 = arith.constant 0 : i32
      %dma_wait3A_22 = tpu.memref_slice %arg18[%mul3A_6, %dma_wait3A_21] : memref<10240x16xf32, #tpu.memory_space<vmem_shared>> -> memref<640x16xf32, #tpu.memory_space<vmem_shared>>
      tpu.wait_dma2 semaphore(%run_scoped3A : memref<!tpu.dma_semaphore, #tpu.memory_space<semaphore_mem>>) src(%arg5 : memref<640x16xf32, #tpu.memory_space<hbm>>) dst(%dma_wait3A_22 : memref<640x16xf32, #tpu.memory_space<vmem_shared>>)
      tpu.yield
    }) : () -> ()
    "tpu.region"() ({
      %run_scoped3A = tpu.sem_alloc : memref<!tpu.dma_semaphore, #tpu.memory_space<semaphore_mem>>
      %dma_start3A_19 = tpu.memref_slice %arg19[%mul3A_6] : memref<10240xf32, #tpu.memory_space<vmem_shared>> -> memref<640xf32, #tpu.memory_space<vmem_shared>>
      tpu.enqueue_dma source(%arg6 : memref<640xf32, #tpu.memory_space<hbm>>) target(%dma_start3A_19 : memref<640xf32, #tpu.memory_space<vmem_shared>>) target_semaphore(%run_scoped3A : memref<!tpu.dma_semaphore, #tpu.memory_space<semaphore_mem>>)
      %dma_wait3A_20 = tpu.memref_slice %arg19[%mul3A_6] : memref<10240xf32, #tpu.memory_space<vmem_shared>> -> memref<640xf32, #tpu.memory_space<vmem_shared>>
      tpu.wait_dma2 semaphore(%run_scoped3A : memref<!tpu.dma_semaphore, #tpu.memory_space<semaphore_mem>>) src(%arg6 : memref<640xf32, #tpu.memory_space<hbm>>) dst(%dma_wait3A_20 : memref<640xf32, #tpu.memory_space<vmem_shared>>)
      tpu.yield
    }) : () -> ()
    %barrier3A = arith.constant 0 : index
    tpu.barrier barrier_id(%barrier3A)
    %dma_start3A = arith.constant 0 : i32
    %dma_start3A_7 = arith.constant 0 : i32
    %dma_start3A_8 = tpu.memref_slice %arg17[%dma_start3A, %dma_start3A_7] : memref<10240x16xf32, #tpu.memory_space<vmem_shared>> -> memref<10240x16xf32, #tpu.memory_space<vmem_shared>>
    tpu.enqueue_indirect_dma source(%dma_start3A_8 : memref<10240x16xf32, #tpu.memory_space<vmem_shared>>) target(%arg14 : memref<1024x16xf32, #tpu.memory_space<vmem>>) offsets(%arg10 : memref<1024xi32, #tpu.memory_space<vmem>>) semaphore(%arg20 : memref<!tpu.dma_semaphore, #tpu.memory_space<semaphore_mem>>)
    %scan3A = arith.constant 0 : i32
    %scan3A_9 = arith.constant 0 : i32
    %scan3A_10 = arith.constant 5 : i32
    %scan3A_11 = arith.addi %scan3A_9, %scan3A_10 : i32
    %scan3A_12 = arith.constant 1 : i32
    scf.for %scan3A_19 = %scan3A_9 to %scan3A_11 step %scan3A_12  : i32 {
      %mul3A_20 = arith.constant 2 : i32
      %mul3A_21 = arith.muli %scan3A_19, %mul3A_20 : i32
      %dma_wait3A_22 = arith.constant 0 : i32
      %dma_wait3A_23 = arith.constant 0 : i32
      %dma_wait3A_24 = tpu.memref_slice %arg17[%dma_wait3A_22, %dma_wait3A_23] : memref<10240x16xf32, #tpu.memory_space<vmem_shared>> -> memref<10240x16xf32, #tpu.memory_space<vmem_shared>>
      tpu.wait_indirect_dma semaphore(%arg20 : memref<!tpu.dma_semaphore, #tpu.memory_space<semaphore_mem>>) src(%dma_wait3A_24 : memref<10240x16xf32, #tpu.memory_space<vmem_shared>>) dst(%arg14 : memref<1024x16xf32, #tpu.memory_space<vmem>>)
      %gt3A = arith.constant 0 : i32
      %gt3A_25 = arith.cmpi sgt, %mul3A_21, %gt3A : i32
      %convert_element_type3A = arith.extui %gt3A_25 : i1 to i32
      %cond3A = arith.constant 0 : i32
      %cond3A_26 = arith.cmpi ne, %convert_element_type3A, %cond3A : i32
      scf.if %cond3A_26 {
        %dma_wait3A_59 = arith.constant 0 : i32
        %dma_wait3A_60 = arith.constant 0 : i32
        %dma_wait3A_61 = tpu.memref_slice %arg18[%dma_wait3A_59, %dma_wait3A_60] : memref<10240x16xf32, #tpu.memory_space<vmem_shared>> -> memref<10240x16xf32, #tpu.memory_space<vmem_shared>>
        tpu.wait_indirect_dma semaphore(%arg21 : memref<!tpu.dma_semaphore, #tpu.memory_space<semaphore_mem>>) src(%arg15 : memref<1024x16xf32, #tpu.memory_space<vmem>>) dst(%dma_wait3A_61 : memref<10240x16xf32, #tpu.memory_space<vmem_shared>>)
        %dma_wait3A_62 = arith.constant 0 : i32
        %dma_wait3A_63 = tpu.memref_slice %arg19[%dma_wait3A_62] : memref<10240xf32, #tpu.memory_space<vmem_shared>> -> memref<10240xf32, #tpu.memory_space<vmem_shared>>
        tpu.wait_indirect_dma semaphore(%arg21 : memref<!tpu.dma_semaphore, #tpu.memory_space<semaphore_mem>>) src(%arg16 : memref<1024xf32, #tpu.memory_space<vmem>>) dst(%dma_wait3A_63 : memref<10240xf32, #tpu.memory_space<vmem_shared>>)
      } else {
      }
      %add3A_27 = arith.constant 1 : i32
      %add3A_28 = arith.addi %mul3A_21, %add3A_27 : i32
      %mul3A_29 = arith.constant 1024 : i32
      %mul3A_30 = arith.muli %add3A_28, %mul3A_29 : i32
      %add3A_31 = arith.addi %mul3A_2, %mul3A_30 : i32
      "tpu.region"() ({
        %run_scoped3A = tpu.sem_alloc : memref<!tpu.dma_semaphore, #tpu.memory_space<semaphore_mem>>
        %dma_start3A_59 = tpu.memref_slice %arg3[%add3A_31] : memref<327680xi32, #tpu.memory_space<hbm>> -> memref<1024xi32, #tpu.memory_space<hbm>>
        %dma_start3A_60 = tpu.memref_slice %arg3[%add3A_31] : memref<327680xi32, #tpu.memory_space<hbm>> -> memref<1024xi32, #tpu.memory_space<hbm>>
        tpu.enqueue_dma source(%dma_start3A_60 : memref<1024xi32, #tpu.memory_space<hbm>>) target(%arg11 : memref<1024xi32, #tpu.memory_space<vmem>>) target_semaphore(%run_scoped3A : memref<!tpu.dma_semaphore, #tpu.memory_space<semaphore_mem>>)
        %dma_wait3A_61 = tpu.memref_slice %arg3[%add3A_31] : memref<327680xi32, #tpu.memory_space<hbm>> -> memref<1024xi32, #tpu.memory_space<hbm>>
        %dma_wait3A_62 = tpu.memref_slice %arg3[%add3A_31] : memref<327680xi32, #tpu.memory_space<hbm>> -> memref<1024xi32, #tpu.memory_space<hbm>>
        tpu.wait_dma2 semaphore(%run_scoped3A : memref<!tpu.dma_semaphore, #tpu.memory_space<semaphore_mem>>) src(%dma_wait3A_62 : memref<1024xi32, #tpu.memory_space<hbm>>) dst(%arg11 : memref<1024xi32, #tpu.memory_space<vmem>>)
        tpu.yield
      }) : () -> ()
      "tpu.region"() ({
        %run_scoped3A = tpu.sem_alloc : memref<!tpu.dma_semaphore, #tpu.memory_space<semaphore_mem>>
        %dma_start3A_59 = tpu.memref_slice %arg4[%add3A_31] : memref<327680xi32, #tpu.memory_space<hbm>> -> memref<1024xi32, #tpu.memory_space<hbm>>
        %dma_start3A_60 = tpu.memref_slice %arg4[%add3A_31] : memref<327680xi32, #tpu.memory_space<hbm>> -> memref<1024xi32, #tpu.memory_space<hbm>>
        tpu.enqueue_dma source(%dma_start3A_60 : memref<1024xi32, #tpu.memory_space<hbm>>) target(%arg13 : memref<1024xi32, #tpu.memory_space<vmem>>) target_semaphore(%run_scoped3A : memref<!tpu.dma_semaphore, #tpu.memory_space<semaphore_mem>>)
        %dma_wait3A_61 = tpu.memref_slice %arg4[%add3A_31] : memref<327680xi32, #tpu.memory_space<hbm>> -> memref<1024xi32, #tpu.memory_space<hbm>>
        %dma_wait3A_62 = tpu.memref_slice %arg4[%add3A_31] : memref<327680xi32, #tpu.memory_space<hbm>> -> memref<1024xi32, #tpu.memory_space<hbm>>
        tpu.wait_dma2 semaphore(%run_scoped3A : memref<!tpu.dma_semaphore, #tpu.memory_space<semaphore_mem>>) src(%dma_wait3A_62 : memref<1024xi32, #tpu.memory_space<hbm>>) dst(%arg13 : memref<1024xi32, #tpu.memory_space<vmem>>)
        tpu.yield
      }) : () -> ()
      %dma_start3A_32 = arith.constant 0 : i32
      %dma_start3A_33 = arith.constant 0 : i32
      %dma_start3A_34 = tpu.memref_slice %arg17[%dma_start3A_32, %dma_start3A_33] : memref<10240x16xf32, #tpu.memory_space<vmem_shared>> -> memref<10240x16xf32, #tpu.memory_space<vmem_shared>>
      tpu.enqueue_indirect_dma source(%dma_start3A_34 : memref<10240x16xf32, #tpu.memory_space<vmem_shared>>) target(%arg15 : memref<1024x16xf32, #tpu.memory_space<vmem>>) offsets(%arg11 : memref<1024xi32, #tpu.memory_space<vmem>>) semaphore(%arg20 : memref<!tpu.dma_semaphore, #tpu.memory_space<semaphore_mem>>)
      %dma_start3A_35 = arith.constant 0 : i32
      %dma_start3A_36 = arith.constant 0 : i32
      %dma_start3A_37 = tpu.memref_slice %arg18[%dma_start3A_35, %dma_start3A_36] : memref<10240x16xf32, #tpu.memory_space<vmem_shared>> -> memref<10240x16xf32, #tpu.memory_space<vmem_shared>>
      tpu.enqueue_indirect_dma source(%arg14 : memref<1024x16xf32, #tpu.memory_space<vmem>>) target(%dma_start3A_37 : memref<10240x16xf32, #tpu.memory_space<vmem_shared>>) offsets(%arg12 : memref<1024xi32, #tpu.memory_space<vmem>>) semaphore(%arg21 : memref<!tpu.dma_semaphore, #tpu.memory_space<semaphore_mem>>) {add = true}
      %dma_start3A_38 = arith.constant 0 : i32
      %dma_start3A_39 = tpu.memref_slice %arg19[%dma_start3A_38] : memref<10240xf32, #tpu.memory_space<vmem_shared>> -> memref<10240xf32, #tpu.memory_space<vmem_shared>>
      tpu.enqueue_indirect_dma source(%arg16 : memref<1024xf32, #tpu.memory_space<vmem>>) target(%dma_start3A_39 : memref<10240xf32, #tpu.memory_space<vmem_shared>>) offsets(%arg12 : memref<1024xi32, #tpu.memory_space<vmem>>) semaphore(%arg21 : memref<!tpu.dma_semaphore, #tpu.memory_space<semaphore_mem>>) {add = true}
      %dma_wait3A_40 = arith.constant 0 : i32
      %dma_wait3A_41 = arith.constant 0 : i32
      %dma_wait3A_42 = tpu.memref_slice %arg17[%dma_wait3A_40, %dma_wait3A_41] : memref<10240x16xf32, #tpu.memory_space<vmem_shared>> -> memref<10240x16xf32, #tpu.memory_space<vmem_shared>>
      tpu.wait_indirect_dma semaphore(%arg20 : memref<!tpu.dma_semaphore, #tpu.memory_space<semaphore_mem>>) src(%dma_wait3A_42 : memref<10240x16xf32, #tpu.memory_space<vmem_shared>>) dst(%arg15 : memref<1024x16xf32, #tpu.memory_space<vmem>>)
      %dma_wait3A_43 = arith.constant 0 : i32
      %dma_wait3A_44 = arith.constant 0 : i32
      %dma_wait3A_45 = tpu.memref_slice %arg18[%dma_wait3A_43, %dma_wait3A_44] : memref<10240x16xf32, #tpu.memory_space<vmem_shared>> -> memref<10240x16xf32, #tpu.memory_space<vmem_shared>>
      tpu.wait_indirect_dma semaphore(%arg21 : memref<!tpu.dma_semaphore, #tpu.memory_space<semaphore_mem>>) src(%arg14 : memref<1024x16xf32, #tpu.memory_space<vmem>>) dst(%dma_wait3A_45 : memref<10240x16xf32, #tpu.memory_space<vmem_shared>>)
      %dma_wait3A_46 = arith.constant 0 : i32
      %dma_wait3A_47 = tpu.memref_slice %arg19[%dma_wait3A_46] : memref<10240xf32, #tpu.memory_space<vmem_shared>> -> memref<10240xf32, #tpu.memory_space<vmem_shared>>
      tpu.wait_indirect_dma semaphore(%arg21 : memref<!tpu.dma_semaphore, #tpu.memory_space<semaphore_mem>>) src(%arg16 : memref<1024xf32, #tpu.memory_space<vmem>>) dst(%dma_wait3A_47 : memref<10240xf32, #tpu.memory_space<vmem_shared>>)
      %add3A_48 = arith.constant 2 : i32
      %add3A_49 = arith.addi %mul3A_21, %add3A_48 : i32
      %lt3A = arith.constant 10 : i32
      %lt3A_50 = arith.cmpi slt, %add3A_49, %lt3A : i32
      %convert_element_type3A_51 = arith.extui %lt3A_50 : i1 to i32
      %cond3A_52 = arith.constant 0 : i32
      %cond3A_53 = arith.cmpi ne, %convert_element_type3A_51, %cond3A_52 : i32
      scf.if %cond3A_53 {
        %add3A_59 = arith.constant 2 : i32
        %add3A_60 = arith.addi %mul3A_21, %add3A_59 : i32
        %mul3A_61 = arith.constant 1024 : i32
        %mul3A_62 = arith.muli %add3A_60, %mul3A_61 : i32
        %add3A_63 = arith.addi %mul3A_2, %mul3A_62 : i32
        "tpu.region"() ({
          %run_scoped3A = tpu.sem_alloc : memref<!tpu.dma_semaphore, #tpu.memory_space<semaphore_mem>>
          %dma_start3A_67 = tpu.memref_slice %arg3[%add3A_63] : memref<327680xi32, #tpu.memory_space<hbm>> -> memref<1024xi32, #tpu.memory_space<hbm>>
          %dma_start3A_68 = tpu.memref_slice %arg3[%add3A_63] : memref<327680xi32, #tpu.memory_space<hbm>> -> memref<1024xi32, #tpu.memory_space<hbm>>
          tpu.enqueue_dma source(%dma_start3A_68 : memref<1024xi32, #tpu.memory_space<hbm>>) target(%arg10 : memref<1024xi32, #tpu.memory_space<vmem>>) target_semaphore(%run_scoped3A : memref<!tpu.dma_semaphore, #tpu.memory_space<semaphore_mem>>)
          %dma_wait3A_69 = tpu.memref_slice %arg3[%add3A_63] : memref<327680xi32, #tpu.memory_space<hbm>> -> memref<1024xi32, #tpu.memory_space<hbm>>
          %dma_wait3A_70 = tpu.memref_slice %arg3[%add3A_63] : memref<327680xi32, #tpu.memory_space<hbm>> -> memref<1024xi32, #tpu.memory_space<hbm>>
          tpu.wait_dma2 semaphore(%run_scoped3A : memref<!tpu.dma_semaphore, #tpu.memory_space<semaphore_mem>>) src(%dma_wait3A_70 : memref<1024xi32, #tpu.memory_space<hbm>>) dst(%arg10 : memref<1024xi32, #tpu.memory_space<vmem>>)
          tpu.yield
        }) : () -> ()
        "tpu.region"() ({
          %run_scoped3A = tpu.sem_alloc : memref<!tpu.dma_semaphore, #tpu.memory_space<semaphore_mem>>
          %dma_start3A_67 = tpu.memref_slice %arg4[%add3A_63] : memref<327680xi32, #tpu.memory_space<hbm>> -> memref<1024xi32, #tpu.memory_space<hbm>>
          %dma_start3A_68 = tpu.memref_slice %arg4[%add3A_63] : memref<327680xi32, #tpu.memory_space<hbm>> -> memref<1024xi32, #tpu.memory_space<hbm>>
          tpu.enqueue_dma source(%dma_start3A_68 : memref<1024xi32, #tpu.memory_space<hbm>>) target(%arg12 : memref<1024xi32, #tpu.memory_space<vmem>>) target_semaphore(%run_scoped3A : memref<!tpu.dma_semaphore, #tpu.memory_space<semaphore_mem>>)
          %dma_wait3A_69 = tpu.memref_slice %arg4[%add3A_63] : memref<327680xi32, #tpu.memory_space<hbm>> -> memref<1024xi32, #tpu.memory_space<hbm>>
          %dma_wait3A_70 = tpu.memref_slice %arg4[%add3A_63] : memref<327680xi32, #tpu.memory_space<hbm>> -> memref<1024xi32, #tpu.memory_space<hbm>>
          tpu.wait_dma2 semaphore(%run_scoped3A : memref<!tpu.dma_semaphore, #tpu.memory_space<semaphore_mem>>) src(%dma_wait3A_70 : memref<1024xi32, #tpu.memory_space<hbm>>) dst(%arg12 : memref<1024xi32, #tpu.memory_space<vmem>>)
          tpu.yield
        }) : () -> ()
        %dma_start3A_64 = arith.constant 0 : i32
        %dma_start3A_65 = arith.constant 0 : i32
        %dma_start3A_66 = tpu.memref_slice %arg17[%dma_start3A_64, %dma_start3A_65] : memref<10240x16xf32, #tpu.memory_space<vmem_shared>> -> memref<10240x16xf32, #tpu.memory_space<vmem_shared>>
        tpu.enqueue_indirect_dma source(%dma_start3A_66 : memref<10240x16xf32, #tpu.memory_space<vmem_shared>>) target(%arg14 : memref<1024x16xf32, #tpu.memory_space<vmem>>) offsets(%arg10 : memref<1024xi32, #tpu.memory_space<vmem>>) semaphore(%arg20 : memref<!tpu.dma_semaphore, #tpu.memory_space<semaphore_mem>>)
      } else {
      }
      %dma_start3A_54 = arith.constant 0 : i32
      %dma_start3A_55 = arith.constant 0 : i32
      %dma_start3A_56 = tpu.memref_slice %arg18[%dma_start3A_54, %dma_start3A_55] : memref<10240x16xf32, #tpu.memory_space<vmem_shared>> -> memref<10240x16xf32, #tpu.memory_space<vmem_shared>>
      tpu.enqueue_indirect_dma source(%arg15 : memref<1024x16xf32, #tpu.memory_space<vmem>>) target(%dma_start3A_56 : memref<10240x16xf32, #tpu.memory_space<vmem_shared>>) offsets(%arg13 : memref<1024xi32, #tpu.memory_space<vmem>>) semaphore(%arg21 : memref<!tpu.dma_semaphore, #tpu.memory_space<semaphore_mem>>) {add = true}
      %dma_start3A_57 = arith.constant 0 : i32
      %dma_start3A_58 = tpu.memref_slice %arg19[%dma_start3A_57] : memref<10240xf32, #tpu.memory_space<vmem_shared>> -> memref<10240xf32, #tpu.memory_space<vmem_shared>>
      tpu.enqueue_indirect_dma source(%arg16 : memref<1024xf32, #tpu.memory_space<vmem>>) target(%dma_start3A_58 : memref<10240xf32, #tpu.memory_space<vmem_shared>>) offsets(%arg13 : memref<1024xi32, #tpu.memory_space<vmem>>) semaphore(%arg21 : memref<!tpu.dma_semaphore, #tpu.memory_space<semaphore_mem>>) {add = true}
    }
    %scan3A_13 = arith.constant 5 : i32
    %dma_wait3A = arith.constant 0 : i32
    %dma_wait3A_14 = arith.constant 0 : i32
    %dma_wait3A_15 = tpu.memref_slice %arg18[%dma_wait3A, %dma_wait3A_14] : memref<10240x16xf32, #tpu.memory_space<vmem_shared>> -> memref<10240x16xf32, #tpu.memory_space<vmem_shared>>
    tpu.wait_indirect_dma semaphore(%arg21 : memref<!tpu.dma_semaphore, #tpu.memory_space<semaphore_mem>>) src(%arg15 : memref<1024x16xf32, #tpu.memory_space<vmem>>) dst(%dma_wait3A_15 : memref<10240x16xf32, #tpu.memory_space<vmem_shared>>)
    %dma_wait3A_16 = arith.constant 0 : i32
    %dma_wait3A_17 = tpu.memref_slice %arg19[%dma_wait3A_16] : memref<10240xf32, #tpu.memory_space<vmem_shared>> -> memref<10240xf32, #tpu.memory_space<vmem_shared>>
    tpu.wait_indirect_dma semaphore(%arg21 : memref<!tpu.dma_semaphore, #tpu.memory_space<semaphore_mem>>) src(%arg16 : memref<1024xf32, #tpu.memory_space<vmem>>) dst(%dma_wait3A_17 : memref<10240xf32, #tpu.memory_space<vmem_shared>>)
    %barrier3A_18 = arith.constant 0 : index
    tpu.barrier barrier_id(%barrier3A_18)
    "tpu.region"() ({
      %run_scoped3A = tpu.sem_alloc : memref<!tpu.dma_semaphore, #tpu.memory_space<semaphore_mem>>
      %dma_start3A_19 = arith.constant 0 : i32
      %dma_start3A_20 = tpu.memref_slice %arg8[%arg0, %mul3A_6, %dma_start3A_19] : memref<2x10240x16xf32, #tpu.memory_space<hbm>> -> memref<1x640x16xf32, #tpu.memory_space<hbm>>
      %dma_start3A_21 = tpu.memref_squeeze %dma_start3A_20 : memref<1x640x16xf32, #tpu.memory_space<hbm>> -> memref<640x16xf32, #tpu.memory_space<hbm>>
      %dma_start3A_22 = arith.constant 0 : i32
      %dma_start3A_23 = tpu.memref_slice %arg18[%mul3A_6, %dma_start3A_22] : memref<10240x16xf32, #tpu.memory_space<vmem_shared>> -> memref<640x16xf32, #tpu.memory_space<vmem_shared>>
      tpu.enqueue_dma source(%dma_start3A_23 : memref<640x16xf32, #tpu.memory_space<vmem_shared>>) target(%dma_start3A_21 : memref<640x16xf32, #tpu.memory_space<hbm>>) target_semaphore(%run_scoped3A : memref<!tpu.dma_semaphore, #tpu.memory_space<semaphore_mem>>)
      %dma_wait3A_24 = arith.constant 0 : i32
      %dma_wait3A_25 = tpu.memref_slice %arg8[%arg0, %mul3A_6, %dma_wait3A_24] : memref<2x10240x16xf32, #tpu.memory_space<hbm>> -> memref<1x640x16xf32, #tpu.memory_space<hbm>>
      %dma_wait3A_26 = tpu.memref_squeeze %dma_wait3A_25 : memref<1x640x16xf32, #tpu.memory_space<hbm>> -> memref<640x16xf32, #tpu.memory_space<hbm>>
      %dma_wait3A_27 = arith.constant 0 : i32
      %dma_wait3A_28 = tpu.memref_slice %arg18[%mul3A_6, %dma_wait3A_27] : memref<10240x16xf32, #tpu.memory_space<vmem_shared>> -> memref<640x16xf32, #tpu.memory_space<vmem_shared>>
      tpu.wait_dma2 semaphore(%run_scoped3A : memref<!tpu.dma_semaphore, #tpu.memory_space<semaphore_mem>>) src(%dma_wait3A_28 : memref<640x16xf32, #tpu.memory_space<vmem_shared>>) dst(%dma_wait3A_26 : memref<640x16xf32, #tpu.memory_space<hbm>>)
      tpu.yield
    }) : () -> ()
    "tpu.region"() ({
      %run_scoped3A = tpu.sem_alloc : memref<!tpu.dma_semaphore, #tpu.memory_space<semaphore_mem>>
      %dma_start3A_19 = tpu.memref_slice %arg9[%arg0, %mul3A_6] : memref<2x10240xf32, #tpu.memory_space<hbm>> -> memref<1x640xf32, #tpu.memory_space<hbm>>
      %dma_start3A_20 = tpu.memref_squeeze %dma_start3A_19 : memref<1x640xf32, #tpu.memory_space<hbm>> -> memref<640xf32, #tpu.memory_space<hbm>>
      %dma_start3A_21 = tpu.memref_slice %arg19[%mul3A_6] : memref<10240xf32, #tpu.memory_space<vmem_shared>> -> memref<640xf32, #tpu.memory_space<vmem_shared>>
      tpu.enqueue_dma source(%dma_start3A_21 : memref<640xf32, #tpu.memory_space<vmem_shared>>) target(%dma_start3A_20 : memref<640xf32, #tpu.memory_space<hbm>>) target_semaphore(%run_scoped3A : memref<!tpu.dma_semaphore, #tpu.memory_space<semaphore_mem>>)
      %dma_wait3A_22 = tpu.memref_slice %arg9[%arg0, %mul3A_6] : memref<2x10240xf32, #tpu.memory_space<hbm>> -> memref<1x640xf32, #tpu.memory_space<hbm>>
      %dma_wait3A_23 = tpu.memref_squeeze %dma_wait3A_22 : memref<1x640xf32, #tpu.memory_space<hbm>> -> memref<640xf32, #tpu.memory_space<hbm>>
      %dma_wait3A_24 = tpu.memref_slice %arg19[%mul3A_6] : memref<10240xf32, #tpu.memory_space<vmem_shared>> -> memref<640xf32, #tpu.memory_space<vmem_shared>>
      tpu.wait_dma2 semaphore(%run_scoped3A : memref<!tpu.dma_semaphore, #tpu.memory_space<semaphore_mem>>) src(%dma_wait3A_24 : memref<640xf32, #tpu.memory_space<vmem_shared>>) dst(%dma_wait3A_23 : memref<640xf32, #tpu.memory_space<hbm>>)
      tpu.yield
    }) : () -> ()
    return
  }
}

#map = affine_map<(d0, d1) -> (0, 0)>
#map1 = affine_map<(d0, d1) -> (0)>
#map2 = affine_map<(d0, d1) -> (0, 0, 0)>
module attributes {stable_mosaic.version = 14 : i64} {
  func.func @body(%arg0: i32, %arg1: i32, %arg2: memref<10240x16xf32, #tpu.memory_space<hbm>>, %arg3: memref<327680xi32, #tpu.memory_space<hbm>>, %arg4: memref<327680xi32, #tpu.memory_space<hbm>>, %arg5: memref<640x16xf32, #tpu.memory_space<hbm>>, %arg6: memref<640xf32, #tpu.memory_space<hbm>>, %arg7: memref<1024xf32, #tpu.memory_space<hbm>>, %arg8: memref<2x10240x16xf32, #tpu.memory_space<hbm>>, %arg9: memref<1024xi32, #tpu.memory_space<vmem>>, %arg10: memref<1024xi32, #tpu.memory_space<vmem>>, %arg11: memref<1024xi32, #tpu.memory_space<vmem>>, %arg12: memref<1024xi32, #tpu.memory_space<vmem>>, %arg13: memref<1024x16xf32, #tpu.memory_space<vmem>>, %arg14: memref<1024x16xf32, #tpu.memory_space<vmem>>, %arg15: memref<1024xf32, #tpu.memory_space<vmem>>, %arg16: memref<10240x16xf32, #tpu.memory_space<vmem_shared>>, %arg17: memref<10240x16xf32, #tpu.memory_space<vmem_shared>>, %arg18: memref<10240xf32, #tpu.memory_space<vmem_shared>>, %arg19: memref<!tpu.dma_semaphore, #tpu.memory_space<semaphore_mem>>, %arg20: memref<!tpu.dma_semaphore, #tpu.memory_space<semaphore_mem>>) attributes {dimension_semantics = [#tpu.dimension_semantics<core_parallel>, #tpu.dimension_semantics<subcore_parallel>], iteration_bounds = array<i64: 2, 16>, scalar_prefetch = 0 : i64, scratch_operands = 12 : i64, tpu.core_type = #tpu.core_type<sc_vector_subcore>, window_params = [{transform_indices = #map}, {transform_indices = #map1}, {transform_indices = #map1}, {transform_indices = #map}, {transform_indices = #map1}, {transform_indices = #map1}, {transform_indices = #map2}]} {
    %mul3A = arith.constant 16 : i32
    %mul3A_0 = arith.muli %arg0, %mul3A : i32
    %add3A = arith.addi %mul3A_0, %arg1 : i32
    %mul3A_1 = arith.constant 10240 : i32
    %mul3A_2 = arith.muli %add3A, %mul3A_1 : i32
    %add3A_3 = arith.constant 0 : i32
    %add3A_4 = arith.addi %mul3A_2, %add3A_3 : i32
    "tpu.region"() ({
      %run_scoped3A = tpu.sem_alloc : memref<!tpu.dma_semaphore, #tpu.memory_space<semaphore_mem>>
      %dma_start3A_17 = tpu.memref_slice %arg3[%add3A_4] : memref<327680xi32, #tpu.memory_space<hbm>> -> memref<1024xi32, #tpu.memory_space<hbm>>
      %dma_start3A_18 = tpu.memref_slice %arg3[%add3A_4] : memref<327680xi32, #tpu.memory_space<hbm>> -> memref<1024xi32, #tpu.memory_space<hbm>>
      tpu.enqueue_dma source(%dma_start3A_18 : memref<1024xi32, #tpu.memory_space<hbm>>) target(%arg9 : memref<1024xi32, #tpu.memory_space<vmem>>) target_semaphore(%run_scoped3A : memref<!tpu.dma_semaphore, #tpu.memory_space<semaphore_mem>>)
      %dma_wait3A_19 = tpu.memref_slice %arg3[%add3A_4] : memref<327680xi32, #tpu.memory_space<hbm>> -> memref<1024xi32, #tpu.memory_space<hbm>>
      %dma_wait3A_20 = tpu.memref_slice %arg3[%add3A_4] : memref<327680xi32, #tpu.memory_space<hbm>> -> memref<1024xi32, #tpu.memory_space<hbm>>
      tpu.wait_dma2 semaphore(%run_scoped3A : memref<!tpu.dma_semaphore, #tpu.memory_space<semaphore_mem>>) src(%dma_wait3A_20 : memref<1024xi32, #tpu.memory_space<hbm>>) dst(%arg9 : memref<1024xi32, #tpu.memory_space<vmem>>)
      tpu.yield
    }) : () -> ()
    "tpu.region"() ({
      %run_scoped3A = tpu.sem_alloc : memref<!tpu.dma_semaphore, #tpu.memory_space<semaphore_mem>>
      %dma_start3A_17 = tpu.memref_slice %arg4[%add3A_4] : memref<327680xi32, #tpu.memory_space<hbm>> -> memref<1024xi32, #tpu.memory_space<hbm>>
      %dma_start3A_18 = tpu.memref_slice %arg4[%add3A_4] : memref<327680xi32, #tpu.memory_space<hbm>> -> memref<1024xi32, #tpu.memory_space<hbm>>
      tpu.enqueue_dma source(%dma_start3A_18 : memref<1024xi32, #tpu.memory_space<hbm>>) target(%arg11 : memref<1024xi32, #tpu.memory_space<vmem>>) target_semaphore(%run_scoped3A : memref<!tpu.dma_semaphore, #tpu.memory_space<semaphore_mem>>)
      %dma_wait3A_19 = tpu.memref_slice %arg4[%add3A_4] : memref<327680xi32, #tpu.memory_space<hbm>> -> memref<1024xi32, #tpu.memory_space<hbm>>
      %dma_wait3A_20 = tpu.memref_slice %arg4[%add3A_4] : memref<327680xi32, #tpu.memory_space<hbm>> -> memref<1024xi32, #tpu.memory_space<hbm>>
      tpu.wait_dma2 semaphore(%run_scoped3A : memref<!tpu.dma_semaphore, #tpu.memory_space<semaphore_mem>>) src(%dma_wait3A_20 : memref<1024xi32, #tpu.memory_space<hbm>>) dst(%arg11 : memref<1024xi32, #tpu.memory_space<vmem>>)
      tpu.yield
    }) : () -> ()
    %mul3A_5 = arith.constant 640 : i32
    %mul3A_6 = arith.muli %arg1, %mul3A_5 : i32
    "tpu.region"() ({
      %run_scoped3A = tpu.sem_alloc : memref<!tpu.dma_semaphore, #tpu.memory_space<semaphore_mem>>
      %dma_start3A_17 = arith.constant 0 : i32
      %dma_start3A_18 = tpu.memref_slice %arg16[%mul3A_6, %dma_start3A_17] : memref<10240x16xf32, #tpu.memory_space<vmem_shared>> -> memref<640x16xf32, #tpu.memory_space<vmem_shared>>
      %dma_start3A_19 = arith.constant 0 : i32
      %dma_start3A_20 = tpu.memref_slice %arg2[%mul3A_6, %dma_start3A_19] : memref<10240x16xf32, #tpu.memory_space<hbm>> -> memref<640x16xf32, #tpu.memory_space<hbm>>
      tpu.enqueue_dma source(%dma_start3A_20 : memref<640x16xf32, #tpu.memory_space<hbm>>) target(%dma_start3A_18 : memref<640x16xf32, #tpu.memory_space<vmem_shared>>) target_semaphore(%run_scoped3A : memref<!tpu.dma_semaphore, #tpu.memory_space<semaphore_mem>>)
      %dma_wait3A_21 = arith.constant 0 : i32
      %dma_wait3A_22 = tpu.memref_slice %arg16[%mul3A_6, %dma_wait3A_21] : memref<10240x16xf32, #tpu.memory_space<vmem_shared>> -> memref<640x16xf32, #tpu.memory_space<vmem_shared>>
      %dma_wait3A_23 = arith.constant 0 : i32
      %dma_wait3A_24 = tpu.memref_slice %arg2[%mul3A_6, %dma_wait3A_23] : memref<10240x16xf32, #tpu.memory_space<hbm>> -> memref<640x16xf32, #tpu.memory_space<hbm>>
      tpu.wait_dma2 semaphore(%run_scoped3A : memref<!tpu.dma_semaphore, #tpu.memory_space<semaphore_mem>>) src(%dma_wait3A_24 : memref<640x16xf32, #tpu.memory_space<hbm>>) dst(%dma_wait3A_22 : memref<640x16xf32, #tpu.memory_space<vmem_shared>>)
      tpu.yield
    }) : () -> ()
    "tpu.region"() ({
      %run_scoped3A = tpu.sem_alloc : memref<!tpu.dma_semaphore, #tpu.memory_space<semaphore_mem>>
      %dma_start3A_17 = arith.constant 0 : i32
      %dma_start3A_18 = tpu.memref_slice %arg17[%mul3A_6, %dma_start3A_17] : memref<10240x16xf32, #tpu.memory_space<vmem_shared>> -> memref<640x16xf32, #tpu.memory_space<vmem_shared>>
      tpu.enqueue_dma source(%arg5 : memref<640x16xf32, #tpu.memory_space<hbm>>) target(%dma_start3A_18 : memref<640x16xf32, #tpu.memory_space<vmem_shared>>) target_semaphore(%run_scoped3A : memref<!tpu.dma_semaphore, #tpu.memory_space<semaphore_mem>>)
      %dma_wait3A_19 = arith.constant 0 : i32
      %dma_wait3A_20 = tpu.memref_slice %arg17[%mul3A_6, %dma_wait3A_19] : memref<10240x16xf32, #tpu.memory_space<vmem_shared>> -> memref<640x16xf32, #tpu.memory_space<vmem_shared>>
      tpu.wait_dma2 semaphore(%run_scoped3A : memref<!tpu.dma_semaphore, #tpu.memory_space<semaphore_mem>>) src(%arg5 : memref<640x16xf32, #tpu.memory_space<hbm>>) dst(%dma_wait3A_20 : memref<640x16xf32, #tpu.memory_space<vmem_shared>>)
      tpu.yield
    }) : () -> ()
    %barrier3A = arith.constant 0 : index
    tpu.barrier barrier_id(%barrier3A)
    %dma_start3A = arith.constant 0 : i32
    %dma_start3A_7 = arith.constant 0 : i32
    %dma_start3A_8 = tpu.memref_slice %arg16[%dma_start3A, %dma_start3A_7] : memref<10240x16xf32, #tpu.memory_space<vmem_shared>> -> memref<10240x16xf32, #tpu.memory_space<vmem_shared>>
    tpu.enqueue_indirect_dma source(%dma_start3A_8 : memref<10240x16xf32, #tpu.memory_space<vmem_shared>>) target(%arg13 : memref<1024x16xf32, #tpu.memory_space<vmem>>) offsets(%arg9 : memref<1024xi32, #tpu.memory_space<vmem>>) semaphore(%arg19 : memref<!tpu.dma_semaphore, #tpu.memory_space<semaphore_mem>>)
    %scan3A = arith.constant 0 : i32
    %scan3A_9 = arith.constant 0 : i32
    %scan3A_10 = arith.constant 5 : i32
    %scan3A_11 = arith.addi %scan3A_9, %scan3A_10 : i32
    %scan3A_12 = arith.constant 1 : i32
    scf.for %scan3A_17 = %scan3A_9 to %scan3A_11 step %scan3A_12  : i32 {
      %mul3A_18 = arith.constant 2 : i32
      %mul3A_19 = arith.muli %scan3A_17, %mul3A_18 : i32
      %dma_wait3A_20 = arith.constant 0 : i32
      %dma_wait3A_21 = arith.constant 0 : i32
      %dma_wait3A_22 = tpu.memref_slice %arg16[%dma_wait3A_20, %dma_wait3A_21] : memref<10240x16xf32, #tpu.memory_space<vmem_shared>> -> memref<10240x16xf32, #tpu.memory_space<vmem_shared>>
      tpu.wait_indirect_dma semaphore(%arg19 : memref<!tpu.dma_semaphore, #tpu.memory_space<semaphore_mem>>) src(%dma_wait3A_22 : memref<10240x16xf32, #tpu.memory_space<vmem_shared>>) dst(%arg13 : memref<1024x16xf32, #tpu.memory_space<vmem>>)
      %gt3A = arith.constant 0 : i32
      %gt3A_23 = arith.cmpi sgt, %mul3A_19, %gt3A : i32
      %convert_element_type3A = arith.extui %gt3A_23 : i1 to i32
      %cond3A = arith.constant 0 : i32
      %cond3A_24 = arith.cmpi ne, %convert_element_type3A, %cond3A : i32
      scf.if %cond3A_24 {
        %dma_wait3A_51 = arith.constant 0 : i32
        %dma_wait3A_52 = arith.constant 0 : i32
        %dma_wait3A_53 = tpu.memref_slice %arg17[%dma_wait3A_51, %dma_wait3A_52] : memref<10240x16xf32, #tpu.memory_space<vmem_shared>> -> memref<10240x16xf32, #tpu.memory_space<vmem_shared>>
        tpu.wait_indirect_dma semaphore(%arg20 : memref<!tpu.dma_semaphore, #tpu.memory_space<semaphore_mem>>) src(%arg14 : memref<1024x16xf32, #tpu.memory_space<vmem>>) dst(%dma_wait3A_53 : memref<10240x16xf32, #tpu.memory_space<vmem_shared>>)
      } else {
      }
      %add3A_25 = arith.constant 1 : i32
      %add3A_26 = arith.addi %mul3A_19, %add3A_25 : i32
      %mul3A_27 = arith.constant 1024 : i32
      %mul3A_28 = arith.muli %add3A_26, %mul3A_27 : i32
      %add3A_29 = arith.addi %mul3A_2, %mul3A_28 : i32
      "tpu.region"() ({
        %run_scoped3A = tpu.sem_alloc : memref<!tpu.dma_semaphore, #tpu.memory_space<semaphore_mem>>
        %dma_start3A_51 = tpu.memref_slice %arg3[%add3A_29] : memref<327680xi32, #tpu.memory_space<hbm>> -> memref<1024xi32, #tpu.memory_space<hbm>>
        %dma_start3A_52 = tpu.memref_slice %arg3[%add3A_29] : memref<327680xi32, #tpu.memory_space<hbm>> -> memref<1024xi32, #tpu.memory_space<hbm>>
        tpu.enqueue_dma source(%dma_start3A_52 : memref<1024xi32, #tpu.memory_space<hbm>>) target(%arg10 : memref<1024xi32, #tpu.memory_space<vmem>>) target_semaphore(%run_scoped3A : memref<!tpu.dma_semaphore, #tpu.memory_space<semaphore_mem>>)
        %dma_wait3A_53 = tpu.memref_slice %arg3[%add3A_29] : memref<327680xi32, #tpu.memory_space<hbm>> -> memref<1024xi32, #tpu.memory_space<hbm>>
        %dma_wait3A_54 = tpu.memref_slice %arg3[%add3A_29] : memref<327680xi32, #tpu.memory_space<hbm>> -> memref<1024xi32, #tpu.memory_space<hbm>>
        tpu.wait_dma2 semaphore(%run_scoped3A : memref<!tpu.dma_semaphore, #tpu.memory_space<semaphore_mem>>) src(%dma_wait3A_54 : memref<1024xi32, #tpu.memory_space<hbm>>) dst(%arg10 : memref<1024xi32, #tpu.memory_space<vmem>>)
        tpu.yield
      }) : () -> ()
      "tpu.region"() ({
        %run_scoped3A = tpu.sem_alloc : memref<!tpu.dma_semaphore, #tpu.memory_space<semaphore_mem>>
        %dma_start3A_51 = tpu.memref_slice %arg4[%add3A_29] : memref<327680xi32, #tpu.memory_space<hbm>> -> memref<1024xi32, #tpu.memory_space<hbm>>
        %dma_start3A_52 = tpu.memref_slice %arg4[%add3A_29] : memref<327680xi32, #tpu.memory_space<hbm>> -> memref<1024xi32, #tpu.memory_space<hbm>>
        tpu.enqueue_dma source(%dma_start3A_52 : memref<1024xi32, #tpu.memory_space<hbm>>) target(%arg12 : memref<1024xi32, #tpu.memory_space<vmem>>) target_semaphore(%run_scoped3A : memref<!tpu.dma_semaphore, #tpu.memory_space<semaphore_mem>>)
        %dma_wait3A_53 = tpu.memref_slice %arg4[%add3A_29] : memref<327680xi32, #tpu.memory_space<hbm>> -> memref<1024xi32, #tpu.memory_space<hbm>>
        %dma_wait3A_54 = tpu.memref_slice %arg4[%add3A_29] : memref<327680xi32, #tpu.memory_space<hbm>> -> memref<1024xi32, #tpu.memory_space<hbm>>
        tpu.wait_dma2 semaphore(%run_scoped3A : memref<!tpu.dma_semaphore, #tpu.memory_space<semaphore_mem>>) src(%dma_wait3A_54 : memref<1024xi32, #tpu.memory_space<hbm>>) dst(%arg12 : memref<1024xi32, #tpu.memory_space<vmem>>)
        tpu.yield
      }) : () -> ()
      %dma_start3A_30 = arith.constant 0 : i32
      %dma_start3A_31 = arith.constant 0 : i32
      %dma_start3A_32 = tpu.memref_slice %arg16[%dma_start3A_30, %dma_start3A_31] : memref<10240x16xf32, #tpu.memory_space<vmem_shared>> -> memref<10240x16xf32, #tpu.memory_space<vmem_shared>>
      tpu.enqueue_indirect_dma source(%dma_start3A_32 : memref<10240x16xf32, #tpu.memory_space<vmem_shared>>) target(%arg14 : memref<1024x16xf32, #tpu.memory_space<vmem>>) offsets(%arg10 : memref<1024xi32, #tpu.memory_space<vmem>>) semaphore(%arg19 : memref<!tpu.dma_semaphore, #tpu.memory_space<semaphore_mem>>)
      %dma_start3A_33 = arith.constant 0 : i32
      %dma_start3A_34 = arith.constant 0 : i32
      %dma_start3A_35 = tpu.memref_slice %arg17[%dma_start3A_33, %dma_start3A_34] : memref<10240x16xf32, #tpu.memory_space<vmem_shared>> -> memref<10240x16xf32, #tpu.memory_space<vmem_shared>>
      tpu.enqueue_indirect_dma source(%arg13 : memref<1024x16xf32, #tpu.memory_space<vmem>>) target(%dma_start3A_35 : memref<10240x16xf32, #tpu.memory_space<vmem_shared>>) offsets(%arg11 : memref<1024xi32, #tpu.memory_space<vmem>>) semaphore(%arg20 : memref<!tpu.dma_semaphore, #tpu.memory_space<semaphore_mem>>) {add = true}
      %dma_wait3A_36 = arith.constant 0 : i32
      %dma_wait3A_37 = arith.constant 0 : i32
      %dma_wait3A_38 = tpu.memref_slice %arg16[%dma_wait3A_36, %dma_wait3A_37] : memref<10240x16xf32, #tpu.memory_space<vmem_shared>> -> memref<10240x16xf32, #tpu.memory_space<vmem_shared>>
      tpu.wait_indirect_dma semaphore(%arg19 : memref<!tpu.dma_semaphore, #tpu.memory_space<semaphore_mem>>) src(%dma_wait3A_38 : memref<10240x16xf32, #tpu.memory_space<vmem_shared>>) dst(%arg14 : memref<1024x16xf32, #tpu.memory_space<vmem>>)
      %dma_wait3A_39 = arith.constant 0 : i32
      %dma_wait3A_40 = arith.constant 0 : i32
      %dma_wait3A_41 = tpu.memref_slice %arg17[%dma_wait3A_39, %dma_wait3A_40] : memref<10240x16xf32, #tpu.memory_space<vmem_shared>> -> memref<10240x16xf32, #tpu.memory_space<vmem_shared>>
      tpu.wait_indirect_dma semaphore(%arg20 : memref<!tpu.dma_semaphore, #tpu.memory_space<semaphore_mem>>) src(%arg13 : memref<1024x16xf32, #tpu.memory_space<vmem>>) dst(%dma_wait3A_41 : memref<10240x16xf32, #tpu.memory_space<vmem_shared>>)
      %add3A_42 = arith.constant 2 : i32
      %add3A_43 = arith.addi %mul3A_19, %add3A_42 : i32
      %lt3A = arith.constant 10 : i32
      %lt3A_44 = arith.cmpi slt, %add3A_43, %lt3A : i32
      %convert_element_type3A_45 = arith.extui %lt3A_44 : i1 to i32
      %cond3A_46 = arith.constant 0 : i32
      %cond3A_47 = arith.cmpi ne, %convert_element_type3A_45, %cond3A_46 : i32
      scf.if %cond3A_47 {
        %add3A_51 = arith.constant 2 : i32
        %add3A_52 = arith.addi %mul3A_19, %add3A_51 : i32
        %mul3A_53 = arith.constant 1024 : i32
        %mul3A_54 = arith.muli %add3A_52, %mul3A_53 : i32
        %add3A_55 = arith.addi %mul3A_2, %mul3A_54 : i32
        "tpu.region"() ({
          %run_scoped3A = tpu.sem_alloc : memref<!tpu.dma_semaphore, #tpu.memory_space<semaphore_mem>>
          %dma_start3A_59 = tpu.memref_slice %arg3[%add3A_55] : memref<327680xi32, #tpu.memory_space<hbm>> -> memref<1024xi32, #tpu.memory_space<hbm>>
          %dma_start3A_60 = tpu.memref_slice %arg3[%add3A_55] : memref<327680xi32, #tpu.memory_space<hbm>> -> memref<1024xi32, #tpu.memory_space<hbm>>
          tpu.enqueue_dma source(%dma_start3A_60 : memref<1024xi32, #tpu.memory_space<hbm>>) target(%arg9 : memref<1024xi32, #tpu.memory_space<vmem>>) target_semaphore(%run_scoped3A : memref<!tpu.dma_semaphore, #tpu.memory_space<semaphore_mem>>)
          %dma_wait3A_61 = tpu.memref_slice %arg3[%add3A_55] : memref<327680xi32, #tpu.memory_space<hbm>> -> memref<1024xi32, #tpu.memory_space<hbm>>
          %dma_wait3A_62 = tpu.memref_slice %arg3[%add3A_55] : memref<327680xi32, #tpu.memory_space<hbm>> -> memref<1024xi32, #tpu.memory_space<hbm>>
          tpu.wait_dma2 semaphore(%run_scoped3A : memref<!tpu.dma_semaphore, #tpu.memory_space<semaphore_mem>>) src(%dma_wait3A_62 : memref<1024xi32, #tpu.memory_space<hbm>>) dst(%arg9 : memref<1024xi32, #tpu.memory_space<vmem>>)
          tpu.yield
        }) : () -> ()
        "tpu.region"() ({
          %run_scoped3A = tpu.sem_alloc : memref<!tpu.dma_semaphore, #tpu.memory_space<semaphore_mem>>
          %dma_start3A_59 = tpu.memref_slice %arg4[%add3A_55] : memref<327680xi32, #tpu.memory_space<hbm>> -> memref<1024xi32, #tpu.memory_space<hbm>>
          %dma_start3A_60 = tpu.memref_slice %arg4[%add3A_55] : memref<327680xi32, #tpu.memory_space<hbm>> -> memref<1024xi32, #tpu.memory_space<hbm>>
          tpu.enqueue_dma source(%dma_start3A_60 : memref<1024xi32, #tpu.memory_space<hbm>>) target(%arg11 : memref<1024xi32, #tpu.memory_space<vmem>>) target_semaphore(%run_scoped3A : memref<!tpu.dma_semaphore, #tpu.memory_space<semaphore_mem>>)
          %dma_wait3A_61 = tpu.memref_slice %arg4[%add3A_55] : memref<327680xi32, #tpu.memory_space<hbm>> -> memref<1024xi32, #tpu.memory_space<hbm>>
          %dma_wait3A_62 = tpu.memref_slice %arg4[%add3A_55] : memref<327680xi32, #tpu.memory_space<hbm>> -> memref<1024xi32, #tpu.memory_space<hbm>>
          tpu.wait_dma2 semaphore(%run_scoped3A : memref<!tpu.dma_semaphore, #tpu.memory_space<semaphore_mem>>) src(%dma_wait3A_62 : memref<1024xi32, #tpu.memory_space<hbm>>) dst(%arg11 : memref<1024xi32, #tpu.memory_space<vmem>>)
          tpu.yield
        }) : () -> ()
        %dma_start3A_56 = arith.constant 0 : i32
        %dma_start3A_57 = arith.constant 0 : i32
        %dma_start3A_58 = tpu.memref_slice %arg16[%dma_start3A_56, %dma_start3A_57] : memref<10240x16xf32, #tpu.memory_space<vmem_shared>> -> memref<10240x16xf32, #tpu.memory_space<vmem_shared>>
        tpu.enqueue_indirect_dma source(%dma_start3A_58 : memref<10240x16xf32, #tpu.memory_space<vmem_shared>>) target(%arg13 : memref<1024x16xf32, #tpu.memory_space<vmem>>) offsets(%arg9 : memref<1024xi32, #tpu.memory_space<vmem>>) semaphore(%arg19 : memref<!tpu.dma_semaphore, #tpu.memory_space<semaphore_mem>>)
      } else {
      }
      %dma_start3A_48 = arith.constant 0 : i32
      %dma_start3A_49 = arith.constant 0 : i32
      %dma_start3A_50 = tpu.memref_slice %arg17[%dma_start3A_48, %dma_start3A_49] : memref<10240x16xf32, #tpu.memory_space<vmem_shared>> -> memref<10240x16xf32, #tpu.memory_space<vmem_shared>>
      tpu.enqueue_indirect_dma source(%arg14 : memref<1024x16xf32, #tpu.memory_space<vmem>>) target(%dma_start3A_50 : memref<10240x16xf32, #tpu.memory_space<vmem_shared>>) offsets(%arg12 : memref<1024xi32, #tpu.memory_space<vmem>>) semaphore(%arg20 : memref<!tpu.dma_semaphore, #tpu.memory_space<semaphore_mem>>) {add = true}
    }
    %scan3A_13 = arith.constant 5 : i32
    %dma_wait3A = arith.constant 0 : i32
    %dma_wait3A_14 = arith.constant 0 : i32
    %dma_wait3A_15 = tpu.memref_slice %arg17[%dma_wait3A, %dma_wait3A_14] : memref<10240x16xf32, #tpu.memory_space<vmem_shared>> -> memref<10240x16xf32, #tpu.memory_space<vmem_shared>>
    tpu.wait_indirect_dma semaphore(%arg20 : memref<!tpu.dma_semaphore, #tpu.memory_space<semaphore_mem>>) src(%arg14 : memref<1024x16xf32, #tpu.memory_space<vmem>>) dst(%dma_wait3A_15 : memref<10240x16xf32, #tpu.memory_space<vmem_shared>>)
    %barrier3A_16 = arith.constant 0 : index
    tpu.barrier barrier_id(%barrier3A_16)
    "tpu.region"() ({
      %run_scoped3A = tpu.sem_alloc : memref<!tpu.dma_semaphore, #tpu.memory_space<semaphore_mem>>
      %dma_start3A_17 = arith.constant 0 : i32
      %dma_start3A_18 = tpu.memref_slice %arg8[%arg0, %mul3A_6, %dma_start3A_17] : memref<2x10240x16xf32, #tpu.memory_space<hbm>> -> memref<1x640x16xf32, #tpu.memory_space<hbm>>
      %dma_start3A_19 = tpu.memref_squeeze %dma_start3A_18 : memref<1x640x16xf32, #tpu.memory_space<hbm>> -> memref<640x16xf32, #tpu.memory_space<hbm>>
      %dma_start3A_20 = arith.constant 0 : i32
      %dma_start3A_21 = tpu.memref_slice %arg17[%mul3A_6, %dma_start3A_20] : memref<10240x16xf32, #tpu.memory_space<vmem_shared>> -> memref<640x16xf32, #tpu.memory_space<vmem_shared>>
      tpu.enqueue_dma source(%dma_start3A_21 : memref<640x16xf32, #tpu.memory_space<vmem_shared>>) target(%dma_start3A_19 : memref<640x16xf32, #tpu.memory_space<hbm>>) target_semaphore(%run_scoped3A : memref<!tpu.dma_semaphore, #tpu.memory_space<semaphore_mem>>)
      %dma_wait3A_22 = arith.constant 0 : i32
      %dma_wait3A_23 = tpu.memref_slice %arg8[%arg0, %mul3A_6, %dma_wait3A_22] : memref<2x10240x16xf32, #tpu.memory_space<hbm>> -> memref<1x640x16xf32, #tpu.memory_space<hbm>>
      %dma_wait3A_24 = tpu.memref_squeeze %dma_wait3A_23 : memref<1x640x16xf32, #tpu.memory_space<hbm>> -> memref<640x16xf32, #tpu.memory_space<hbm>>
      %dma_wait3A_25 = arith.constant 0 : i32
      %dma_wait3A_26 = tpu.memref_slice %arg17[%mul3A_6, %dma_wait3A_25] : memref<10240x16xf32, #tpu.memory_space<vmem_shared>> -> memref<640x16xf32, #tpu.memory_space<vmem_shared>>
      tpu.wait_dma2 semaphore(%run_scoped3A : memref<!tpu.dma_semaphore, #tpu.memory_space<semaphore_mem>>) src(%dma_wait3A_26 : memref<640x16xf32, #tpu.memory_space<vmem_shared>>) dst(%dma_wait3A_24 : memref<640x16xf32, #tpu.memory_space<hbm>>)
      tpu.yield
    }) : () -> ()
    return
  }
}

#map = affine_map<(d0, d1) -> (0, 0)>
#map1 = affine_map<(d0, d1) -> (0)>
#map2 = affine_map<(d0, d1) -> (0, 0, 0)>
module attributes {stable_mosaic.version = 14 : i64} {
  func.func @body(%arg0: i32, %arg1: i32, %arg2: memref<10240x16xf32, #tpu.memory_space<hbm>>, %arg3: memref<327680xi32, #tpu.memory_space<hbm>>, %arg4: memref<327680xi32, #tpu.memory_space<hbm>>, %arg5: memref<640x16xf32, #tpu.memory_space<hbm>>, %arg6: memref<640xf32, #tpu.memory_space<hbm>>, %arg7: memref<1024xf32, #tpu.memory_space<hbm>>, %arg8: memref<2x10240x16xf32, #tpu.memory_space<hbm>>, %arg9: memref<1024xi32, #tpu.memory_space<vmem>>, %arg10: memref<1024xi32, #tpu.memory_space<vmem>>, %arg11: memref<1024xi32, #tpu.memory_space<vmem>>, %arg12: memref<1024xi32, #tpu.memory_space<vmem>>, %arg13: memref<1024x16xf32, #tpu.memory_space<vmem>>, %arg14: memref<1024x16xf32, #tpu.memory_space<vmem>>, %arg15: memref<1024xf32, #tpu.memory_space<vmem>>, %arg16: memref<10240x16xf32, #tpu.memory_space<vmem_shared>>, %arg17: memref<10240x16xf32, #tpu.memory_space<vmem_shared>>, %arg18: memref<10240xf32, #tpu.memory_space<vmem_shared>>, %arg19: memref<!tpu.dma_semaphore, #tpu.memory_space<semaphore_mem>>, %arg20: memref<!tpu.dma_semaphore, #tpu.memory_space<semaphore_mem>>) attributes {dimension_semantics = [#tpu.dimension_semantics<core_parallel>, #tpu.dimension_semantics<subcore_parallel>], iteration_bounds = array<i64: 2, 16>, scalar_prefetch = 0 : i64, scratch_operands = 12 : i64, tpu.core_type = #tpu.core_type<sc_vector_subcore>, window_params = [{transform_indices = #map}, {transform_indices = #map1}, {transform_indices = #map1}, {transform_indices = #map}, {transform_indices = #map1}, {transform_indices = #map1}, {transform_indices = #map2}]} {
    %mul3A = arith.constant 16 : i32
    %mul3A_0 = arith.muli %arg0, %mul3A : i32
    %add3A = arith.addi %mul3A_0, %arg1 : i32
    %mul3A_1 = arith.constant 10240 : i32
    %mul3A_2 = arith.muli %add3A, %mul3A_1 : i32
    %add3A_3 = arith.constant 0 : i32
    %add3A_4 = arith.addi %mul3A_2, %add3A_3 : i32
    "tpu.region"() ({
      %run_scoped3A = tpu.sem_alloc : memref<!tpu.dma_semaphore, #tpu.memory_space<semaphore_mem>>
      %dma_start3A_17 = tpu.memref_slice %arg3[%add3A_4] : memref<327680xi32, #tpu.memory_space<hbm>> -> memref<1024xi32, #tpu.memory_space<hbm>>
      %dma_start3A_18 = tpu.memref_slice %arg3[%add3A_4] : memref<327680xi32, #tpu.memory_space<hbm>> -> memref<1024xi32, #tpu.memory_space<hbm>>
      tpu.enqueue_dma source(%dma_start3A_18 : memref<1024xi32, #tpu.memory_space<hbm>>) target(%arg9 : memref<1024xi32, #tpu.memory_space<vmem>>) target_semaphore(%run_scoped3A : memref<!tpu.dma_semaphore, #tpu.memory_space<semaphore_mem>>)
      %dma_wait3A_19 = tpu.memref_slice %arg3[%add3A_4] : memref<327680xi32, #tpu.memory_space<hbm>> -> memref<1024xi32, #tpu.memory_space<hbm>>
      %dma_wait3A_20 = tpu.memref_slice %arg3[%add3A_4] : memref<327680xi32, #tpu.memory_space<hbm>> -> memref<1024xi32, #tpu.memory_space<hbm>>
      tpu.wait_dma2 semaphore(%run_scoped3A : memref<!tpu.dma_semaphore, #tpu.memory_space<semaphore_mem>>) src(%dma_wait3A_20 : memref<1024xi32, #tpu.memory_space<hbm>>) dst(%arg9 : memref<1024xi32, #tpu.memory_space<vmem>>)
      tpu.yield
    }) : () -> ()
    "tpu.region"() ({
      %run_scoped3A = tpu.sem_alloc : memref<!tpu.dma_semaphore, #tpu.memory_space<semaphore_mem>>
      %dma_start3A_17 = tpu.memref_slice %arg4[%add3A_4] : memref<327680xi32, #tpu.memory_space<hbm>> -> memref<1024xi32, #tpu.memory_space<hbm>>
      %dma_start3A_18 = tpu.memref_slice %arg4[%add3A_4] : memref<327680xi32, #tpu.memory_space<hbm>> -> memref<1024xi32, #tpu.memory_space<hbm>>
      tpu.enqueue_dma source(%dma_start3A_18 : memref<1024xi32, #tpu.memory_space<hbm>>) target(%arg11 : memref<1024xi32, #tpu.memory_space<vmem>>) target_semaphore(%run_scoped3A : memref<!tpu.dma_semaphore, #tpu.memory_space<semaphore_mem>>)
      %dma_wait3A_19 = tpu.memref_slice %arg4[%add3A_4] : memref<327680xi32, #tpu.memory_space<hbm>> -> memref<1024xi32, #tpu.memory_space<hbm>>
      %dma_wait3A_20 = tpu.memref_slice %arg4[%add3A_4] : memref<327680xi32, #tpu.memory_space<hbm>> -> memref<1024xi32, #tpu.memory_space<hbm>>
      tpu.wait_dma2 semaphore(%run_scoped3A : memref<!tpu.dma_semaphore, #tpu.memory_space<semaphore_mem>>) src(%dma_wait3A_20 : memref<1024xi32, #tpu.memory_space<hbm>>) dst(%arg11 : memref<1024xi32, #tpu.memory_space<vmem>>)
      tpu.yield
    }) : () -> ()
    %mul3A_5 = arith.constant 640 : i32
    %mul3A_6 = arith.muli %arg1, %mul3A_5 : i32
    "tpu.region"() ({
      %run_scoped3A = tpu.sem_alloc : memref<!tpu.dma_semaphore, #tpu.memory_space<semaphore_mem>>
      %dma_start3A_17 = arith.constant 0 : i32
      %dma_start3A_18 = tpu.memref_slice %arg16[%mul3A_6, %dma_start3A_17] : memref<10240x16xf32, #tpu.memory_space<vmem_shared>> -> memref<640x16xf32, #tpu.memory_space<vmem_shared>>
      %dma_start3A_19 = arith.constant 0 : i32
      %dma_start3A_20 = tpu.memref_slice %arg2[%mul3A_6, %dma_start3A_19] : memref<10240x16xf32, #tpu.memory_space<hbm>> -> memref<640x16xf32, #tpu.memory_space<hbm>>
      tpu.enqueue_dma source(%dma_start3A_20 : memref<640x16xf32, #tpu.memory_space<hbm>>) target(%dma_start3A_18 : memref<640x16xf32, #tpu.memory_space<vmem_shared>>) target_semaphore(%run_scoped3A : memref<!tpu.dma_semaphore, #tpu.memory_space<semaphore_mem>>)
      %dma_wait3A_21 = arith.constant 0 : i32
      %dma_wait3A_22 = tpu.memref_slice %arg16[%mul3A_6, %dma_wait3A_21] : memref<10240x16xf32, #tpu.memory_space<vmem_shared>> -> memref<640x16xf32, #tpu.memory_space<vmem_shared>>
      %dma_wait3A_23 = arith.constant 0 : i32
      %dma_wait3A_24 = tpu.memref_slice %arg2[%mul3A_6, %dma_wait3A_23] : memref<10240x16xf32, #tpu.memory_space<hbm>> -> memref<640x16xf32, #tpu.memory_space<hbm>>
      tpu.wait_dma2 semaphore(%run_scoped3A : memref<!tpu.dma_semaphore, #tpu.memory_space<semaphore_mem>>) src(%dma_wait3A_24 : memref<640x16xf32, #tpu.memory_space<hbm>>) dst(%dma_wait3A_22 : memref<640x16xf32, #tpu.memory_space<vmem_shared>>)
      tpu.yield
    }) : () -> ()
    "tpu.region"() ({
      %run_scoped3A = tpu.sem_alloc : memref<!tpu.dma_semaphore, #tpu.memory_space<semaphore_mem>>
      %dma_start3A_17 = arith.constant 0 : i32
      %dma_start3A_18 = tpu.memref_slice %arg17[%mul3A_6, %dma_start3A_17] : memref<10240x16xf32, #tpu.memory_space<vmem_shared>> -> memref<640x16xf32, #tpu.memory_space<vmem_shared>>
      tpu.enqueue_dma source(%arg5 : memref<640x16xf32, #tpu.memory_space<hbm>>) target(%dma_start3A_18 : memref<640x16xf32, #tpu.memory_space<vmem_shared>>) target_semaphore(%run_scoped3A : memref<!tpu.dma_semaphore, #tpu.memory_space<semaphore_mem>>)
      %dma_wait3A_19 = arith.constant 0 : i32
      %dma_wait3A_20 = tpu.memref_slice %arg17[%mul3A_6, %dma_wait3A_19] : memref<10240x16xf32, #tpu.memory_space<vmem_shared>> -> memref<640x16xf32, #tpu.memory_space<vmem_shared>>
      tpu.wait_dma2 semaphore(%run_scoped3A : memref<!tpu.dma_semaphore, #tpu.memory_space<semaphore_mem>>) src(%arg5 : memref<640x16xf32, #tpu.memory_space<hbm>>) dst(%dma_wait3A_20 : memref<640x16xf32, #tpu.memory_space<vmem_shared>>)
      tpu.yield
    }) : () -> ()
    %barrier3A = arith.constant 0 : index
    tpu.barrier barrier_id(%barrier3A)
    %dma_start3A = arith.constant 0 : i32
    %dma_start3A_7 = arith.constant 0 : i32
    %dma_start3A_8 = tpu.memref_slice %arg16[%dma_start3A, %dma_start3A_7] : memref<10240x16xf32, #tpu.memory_space<vmem_shared>> -> memref<10240x16xf32, #tpu.memory_space<vmem_shared>>
    tpu.enqueue_indirect_dma source(%dma_start3A_8 : memref<10240x16xf32, #tpu.memory_space<vmem_shared>>) target(%arg13 : memref<1024x16xf32, #tpu.memory_space<vmem>>) offsets(%arg9 : memref<1024xi32, #tpu.memory_space<vmem>>) semaphore(%arg19 : memref<!tpu.dma_semaphore, #tpu.memory_space<semaphore_mem>>)
    %scan3A = arith.constant 0 : i32
    %scan3A_9 = arith.constant 0 : i32
    %scan3A_10 = arith.constant 5 : i32
    %scan3A_11 = arith.addi %scan3A_9, %scan3A_10 : i32
    %scan3A_12 = arith.constant 1 : i32
    scf.for %scan3A_17 = %scan3A_9 to %scan3A_11 step %scan3A_12  : i32 {
      %mul3A_18 = arith.constant 2 : i32
      %mul3A_19 = arith.muli %scan3A_17, %mul3A_18 : i32
      %dma_wait3A_20 = arith.constant 0 : i32
      %dma_wait3A_21 = arith.constant 0 : i32
      %dma_wait3A_22 = tpu.memref_slice %arg16[%dma_wait3A_20, %dma_wait3A_21] : memref<10240x16xf32, #tpu.memory_space<vmem_shared>> -> memref<10240x16xf32, #tpu.memory_space<vmem_shared>>
      tpu.wait_indirect_dma semaphore(%arg19 : memref<!tpu.dma_semaphore, #tpu.memory_space<semaphore_mem>>) src(%dma_wait3A_22 : memref<10240x16xf32, #tpu.memory_space<vmem_shared>>) dst(%arg13 : memref<1024x16xf32, #tpu.memory_space<vmem>>)
      %gt3A = arith.constant 0 : i32
      %gt3A_23 = arith.cmpi sgt, %mul3A_19, %gt3A : i32
      %convert_element_type3A = arith.extui %gt3A_23 : i1 to i32
      %cond3A = arith.constant 0 : i32
      %cond3A_24 = arith.cmpi ne, %convert_element_type3A, %cond3A : i32
      scf.if %cond3A_24 {
        %dma_wait3A_51 = arith.constant 0 : i32
        %dma_wait3A_52 = arith.constant 0 : i32
        %dma_wait3A_53 = tpu.memref_slice %arg17[%dma_wait3A_51, %dma_wait3A_52] : memref<10240x16xf32, #tpu.memory_space<vmem_shared>> -> memref<10240x16xf32, #tpu.memory_space<vmem_shared>>
        tpu.wait_indirect_dma semaphore(%arg20 : memref<!tpu.dma_semaphore, #tpu.memory_space<semaphore_mem>>) src(%arg14 : memref<1024x16xf32, #tpu.memory_space<vmem>>) dst(%dma_wait3A_53 : memref<10240x16xf32, #tpu.memory_space<vmem_shared>>)
      } else {
      }
      %add3A_25 = arith.constant 1 : i32
      %add3A_26 = arith.addi %mul3A_19, %add3A_25 : i32
      %mul3A_27 = arith.constant 1024 : i32
      %mul3A_28 = arith.muli %add3A_26, %mul3A_27 : i32
      %add3A_29 = arith.addi %mul3A_2, %mul3A_28 : i32
      "tpu.region"() ({
        %run_scoped3A = tpu.sem_alloc : memref<!tpu.dma_semaphore, #tpu.memory_space<semaphore_mem>>
        %dma_start3A_51 = tpu.memref_slice %arg3[%add3A_29] : memref<327680xi32, #tpu.memory_space<hbm>> -> memref<1024xi32, #tpu.memory_space<hbm>>
        %dma_start3A_52 = tpu.memref_slice %arg3[%add3A_29] : memref<327680xi32, #tpu.memory_space<hbm>> -> memref<1024xi32, #tpu.memory_space<hbm>>
        tpu.enqueue_dma source(%dma_start3A_52 : memref<1024xi32, #tpu.memory_space<hbm>>) target(%arg10 : memref<1024xi32, #tpu.memory_space<vmem>>) target_semaphore(%run_scoped3A : memref<!tpu.dma_semaphore, #tpu.memory_space<semaphore_mem>>)
        %dma_wait3A_53 = tpu.memref_slice %arg3[%add3A_29] : memref<327680xi32, #tpu.memory_space<hbm>> -> memref<1024xi32, #tpu.memory_space<hbm>>
        %dma_wait3A_54 = tpu.memref_slice %arg3[%add3A_29] : memref<327680xi32, #tpu.memory_space<hbm>> -> memref<1024xi32, #tpu.memory_space<hbm>>
        tpu.wait_dma2 semaphore(%run_scoped3A : memref<!tpu.dma_semaphore, #tpu.memory_space<semaphore_mem>>) src(%dma_wait3A_54 : memref<1024xi32, #tpu.memory_space<hbm>>) dst(%arg10 : memref<1024xi32, #tpu.memory_space<vmem>>)
        tpu.yield
      }) : () -> ()
      "tpu.region"() ({
        %run_scoped3A = tpu.sem_alloc : memref<!tpu.dma_semaphore, #tpu.memory_space<semaphore_mem>>
        %dma_start3A_51 = tpu.memref_slice %arg4[%add3A_29] : memref<327680xi32, #tpu.memory_space<hbm>> -> memref<1024xi32, #tpu.memory_space<hbm>>
        %dma_start3A_52 = tpu.memref_slice %arg4[%add3A_29] : memref<327680xi32, #tpu.memory_space<hbm>> -> memref<1024xi32, #tpu.memory_space<hbm>>
        tpu.enqueue_dma source(%dma_start3A_52 : memref<1024xi32, #tpu.memory_space<hbm>>) target(%arg12 : memref<1024xi32, #tpu.memory_space<vmem>>) target_semaphore(%run_scoped3A : memref<!tpu.dma_semaphore, #tpu.memory_space<semaphore_mem>>)
        %dma_wait3A_53 = tpu.memref_slice %arg4[%add3A_29] : memref<327680xi32, #tpu.memory_space<hbm>> -> memref<1024xi32, #tpu.memory_space<hbm>>
        %dma_wait3A_54 = tpu.memref_slice %arg4[%add3A_29] : memref<327680xi32, #tpu.memory_space<hbm>> -> memref<1024xi32, #tpu.memory_space<hbm>>
        tpu.wait_dma2 semaphore(%run_scoped3A : memref<!tpu.dma_semaphore, #tpu.memory_space<semaphore_mem>>) src(%dma_wait3A_54 : memref<1024xi32, #tpu.memory_space<hbm>>) dst(%arg12 : memref<1024xi32, #tpu.memory_space<vmem>>)
        tpu.yield
      }) : () -> ()
      %dma_start3A_30 = arith.constant 0 : i32
      %dma_start3A_31 = arith.constant 0 : i32
      %dma_start3A_32 = tpu.memref_slice %arg16[%dma_start3A_30, %dma_start3A_31] : memref<10240x16xf32, #tpu.memory_space<vmem_shared>> -> memref<10240x16xf32, #tpu.memory_space<vmem_shared>>
      tpu.enqueue_indirect_dma source(%dma_start3A_32 : memref<10240x16xf32, #tpu.memory_space<vmem_shared>>) target(%arg14 : memref<1024x16xf32, #tpu.memory_space<vmem>>) offsets(%arg10 : memref<1024xi32, #tpu.memory_space<vmem>>) semaphore(%arg19 : memref<!tpu.dma_semaphore, #tpu.memory_space<semaphore_mem>>)
      %dma_start3A_33 = arith.constant 0 : i32
      %dma_start3A_34 = arith.constant 0 : i32
      %dma_start3A_35 = tpu.memref_slice %arg17[%dma_start3A_33, %dma_start3A_34] : memref<10240x16xf32, #tpu.memory_space<vmem_shared>> -> memref<10240x16xf32, #tpu.memory_space<vmem_shared>>
      tpu.enqueue_indirect_dma source(%arg13 : memref<1024x16xf32, #tpu.memory_space<vmem>>) target(%dma_start3A_35 : memref<10240x16xf32, #tpu.memory_space<vmem_shared>>) offsets(%arg11 : memref<1024xi32, #tpu.memory_space<vmem>>) semaphore(%arg20 : memref<!tpu.dma_semaphore, #tpu.memory_space<semaphore_mem>>) {add = true}
      %dma_wait3A_36 = arith.constant 0 : i32
      %dma_wait3A_37 = arith.constant 0 : i32
      %dma_wait3A_38 = tpu.memref_slice %arg16[%dma_wait3A_36, %dma_wait3A_37] : memref<10240x16xf32, #tpu.memory_space<vmem_shared>> -> memref<10240x16xf32, #tpu.memory_space<vmem_shared>>
      tpu.wait_indirect_dma semaphore(%arg19 : memref<!tpu.dma_semaphore, #tpu.memory_space<semaphore_mem>>) src(%dma_wait3A_38 : memref<10240x16xf32, #tpu.memory_space<vmem_shared>>) dst(%arg14 : memref<1024x16xf32, #tpu.memory_space<vmem>>)
      %dma_wait3A_39 = arith.constant 0 : i32
      %dma_wait3A_40 = arith.constant 0 : i32
      %dma_wait3A_41 = tpu.memref_slice %arg17[%dma_wait3A_39, %dma_wait3A_40] : memref<10240x16xf32, #tpu.memory_space<vmem_shared>> -> memref<10240x16xf32, #tpu.memory_space<vmem_shared>>
      tpu.wait_indirect_dma semaphore(%arg20 : memref<!tpu.dma_semaphore, #tpu.memory_space<semaphore_mem>>) src(%arg13 : memref<1024x16xf32, #tpu.memory_space<vmem>>) dst(%dma_wait3A_41 : memref<10240x16xf32, #tpu.memory_space<vmem_shared>>)
      %add3A_42 = arith.constant 2 : i32
      %add3A_43 = arith.addi %mul3A_19, %add3A_42 : i32
      %lt3A = arith.constant 10 : i32
      %lt3A_44 = arith.cmpi slt, %add3A_43, %lt3A : i32
      %convert_element_type3A_45 = arith.extui %lt3A_44 : i1 to i32
      %cond3A_46 = arith.constant 0 : i32
      %cond3A_47 = arith.cmpi ne, %convert_element_type3A_45, %cond3A_46 : i32
      scf.if %cond3A_47 {
        %add3A_51 = arith.constant 2 : i32
        %add3A_52 = arith.addi %mul3A_19, %add3A_51 : i32
        %mul3A_53 = arith.constant 1024 : i32
        %mul3A_54 = arith.muli %add3A_52, %mul3A_53 : i32
        %add3A_55 = arith.addi %mul3A_2, %mul3A_54 : i32
        "tpu.region"() ({
          %run_scoped3A = tpu.sem_alloc : memref<!tpu.dma_semaphore, #tpu.memory_space<semaphore_mem>>
          %dma_start3A_59 = tpu.memref_slice %arg3[%add3A_55] : memref<327680xi32, #tpu.memory_space<hbm>> -> memref<1024xi32, #tpu.memory_space<hbm>>
          %dma_start3A_60 = tpu.memref_slice %arg3[%add3A_55] : memref<327680xi32, #tpu.memory_space<hbm>> -> memref<1024xi32, #tpu.memory_space<hbm>>
          tpu.enqueue_dma source(%dma_start3A_60 : memref<1024xi32, #tpu.memory_space<hbm>>) target(%arg9 : memref<1024xi32, #tpu.memory_space<vmem>>) target_semaphore(%run_scoped3A : memref<!tpu.dma_semaphore, #tpu.memory_space<semaphore_mem>>)
          %dma_wait3A_61 = tpu.memref_slice %arg3[%add3A_55] : memref<327680xi32, #tpu.memory_space<hbm>> -> memref<1024xi32, #tpu.memory_space<hbm>>
          %dma_wait3A_62 = tpu.memref_slice %arg3[%add3A_55] : memref<327680xi32, #tpu.memory_space<hbm>> -> memref<1024xi32, #tpu.memory_space<hbm>>
          tpu.wait_dma2 semaphore(%run_scoped3A : memref<!tpu.dma_semaphore, #tpu.memory_space<semaphore_mem>>) src(%dma_wait3A_62 : memref<1024xi32, #tpu.memory_space<hbm>>) dst(%arg9 : memref<1024xi32, #tpu.memory_space<vmem>>)
          tpu.yield
        }) : () -> ()
        "tpu.region"() ({
          %run_scoped3A = tpu.sem_alloc : memref<!tpu.dma_semaphore, #tpu.memory_space<semaphore_mem>>
          %dma_start3A_59 = tpu.memref_slice %arg4[%add3A_55] : memref<327680xi32, #tpu.memory_space<hbm>> -> memref<1024xi32, #tpu.memory_space<hbm>>
          %dma_start3A_60 = tpu.memref_slice %arg4[%add3A_55] : memref<327680xi32, #tpu.memory_space<hbm>> -> memref<1024xi32, #tpu.memory_space<hbm>>
          tpu.enqueue_dma source(%dma_start3A_60 : memref<1024xi32, #tpu.memory_space<hbm>>) target(%arg11 : memref<1024xi32, #tpu.memory_space<vmem>>) target_semaphore(%run_scoped3A : memref<!tpu.dma_semaphore, #tpu.memory_space<semaphore_mem>>)
          %dma_wait3A_61 = tpu.memref_slice %arg4[%add3A_55] : memref<327680xi32, #tpu.memory_space<hbm>> -> memref<1024xi32, #tpu.memory_space<hbm>>
          %dma_wait3A_62 = tpu.memref_slice %arg4[%add3A_55] : memref<327680xi32, #tpu.memory_space<hbm>> -> memref<1024xi32, #tpu.memory_space<hbm>>
          tpu.wait_dma2 semaphore(%run_scoped3A : memref<!tpu.dma_semaphore, #tpu.memory_space<semaphore_mem>>) src(%dma_wait3A_62 : memref<1024xi32, #tpu.memory_space<hbm>>) dst(%arg11 : memref<1024xi32, #tpu.memory_space<vmem>>)
          tpu.yield
        }) : () -> ()
        %dma_start3A_56 = arith.constant 0 : i32
        %dma_start3A_57 = arith.constant 0 : i32
        %dma_start3A_58 = tpu.memref_slice %arg16[%dma_start3A_56, %dma_start3A_57] : memref<10240x16xf32, #tpu.memory_space<vmem_shared>> -> memref<10240x16xf32, #tpu.memory_space<vmem_shared>>
        tpu.enqueue_indirect_dma source(%dma_start3A_58 : memref<10240x16xf32, #tpu.memory_space<vmem_shared>>) target(%arg13 : memref<1024x16xf32, #tpu.memory_space<vmem>>) offsets(%arg9 : memref<1024xi32, #tpu.memory_space<vmem>>) semaphore(%arg19 : memref<!tpu.dma_semaphore, #tpu.memory_space<semaphore_mem>>)
      } else {
      }
      %dma_start3A_48 = arith.constant 0 : i32
      %dma_start3A_49 = arith.constant 0 : i32
      %dma_start3A_50 = tpu.memref_slice %arg17[%dma_start3A_48, %dma_start3A_49] : memref<10240x16xf32, #tpu.memory_space<vmem_shared>> -> memref<10240x16xf32, #tpu.memory_space<vmem_shared>>
      tpu.enqueue_indirect_dma source(%arg14 : memref<1024x16xf32, #tpu.memory_space<vmem>>) target(%dma_start3A_50 : memref<10240x16xf32, #tpu.memory_space<vmem_shared>>) offsets(%arg12 : memref<1024xi32, #tpu.memory_space<vmem>>) semaphore(%arg20 : memref<!tpu.dma_semaphore, #tpu.memory_space<semaphore_mem>>) {add = true}
    }
    %scan3A_13 = arith.constant 5 : i32
    %dma_wait3A = arith.constant 0 : i32
    %dma_wait3A_14 = arith.constant 0 : i32
    %dma_wait3A_15 = tpu.memref_slice %arg17[%dma_wait3A, %dma_wait3A_14] : memref<10240x16xf32, #tpu.memory_space<vmem_shared>> -> memref<10240x16xf32, #tpu.memory_space<vmem_shared>>
    tpu.wait_indirect_dma semaphore(%arg20 : memref<!tpu.dma_semaphore, #tpu.memory_space<semaphore_mem>>) src(%arg14 : memref<1024x16xf32, #tpu.memory_space<vmem>>) dst(%dma_wait3A_15 : memref<10240x16xf32, #tpu.memory_space<vmem_shared>>)
    %barrier3A_16 = arith.constant 0 : index
    tpu.barrier barrier_id(%barrier3A_16)
    "tpu.region"() ({
      %run_scoped3A = tpu.sem_alloc : memref<!tpu.dma_semaphore, #tpu.memory_space<semaphore_mem>>
      %dma_start3A_17 = arith.constant 0 : i32
      %dma_start3A_18 = tpu.memref_slice %arg8[%arg0, %mul3A_6, %dma_start3A_17] : memref<2x10240x16xf32, #tpu.memory_space<hbm>> -> memref<1x640x16xf32, #tpu.memory_space<hbm>>
      %dma_start3A_19 = tpu.memref_squeeze %dma_start3A_18 : memref<1x640x16xf32, #tpu.memory_space<hbm>> -> memref<640x16xf32, #tpu.memory_space<hbm>>
      %dma_start3A_20 = arith.constant 0 : i32
      %dma_start3A_21 = tpu.memref_slice %arg17[%mul3A_6, %dma_start3A_20] : memref<10240x16xf32, #tpu.memory_space<vmem_shared>> -> memref<640x16xf32, #tpu.memory_space<vmem_shared>>
      tpu.enqueue_dma source(%dma_start3A_21 : memref<640x16xf32, #tpu.memory_space<vmem_shared>>) target(%dma_start3A_19 : memref<640x16xf32, #tpu.memory_space<hbm>>) target_semaphore(%run_scoped3A : memref<!tpu.dma_semaphore, #tpu.memory_space<semaphore_mem>>)
      %dma_wait3A_22 = arith.constant 0 : i32
      %dma_wait3A_23 = tpu.memref_slice %arg8[%arg0, %mul3A_6, %dma_wait3A_22] : memref<2x10240x16xf32, #tpu.memory_space<hbm>> -> memref<1x640x16xf32, #tpu.memory_space<hbm>>
      %dma_wait3A_24 = tpu.memref_squeeze %dma_wait3A_23 : memref<1x640x16xf32, #tpu.memory_space<hbm>> -> memref<640x16xf32, #tpu.memory_space<hbm>>
      %dma_wait3A_25 = arith.constant 0 : i32
      %dma_wait3A_26 = tpu.memref_slice %arg17[%mul3A_6, %dma_wait3A_25] : memref<10240x16xf32, #tpu.memory_space<vmem_shared>> -> memref<640x16xf32, #tpu.memory_space<vmem_shared>>
      tpu.wait_dma2 semaphore(%run_scoped3A : memref<!tpu.dma_semaphore, #tpu.memory_space<semaphore_mem>>) src(%dma_wait3A_26 : memref<640x16xf32, #tpu.memory_space<vmem_shared>>) dst(%dma_wait3A_24 : memref<640x16xf32, #tpu.memory_space<hbm>>)
      tpu.yield
    }) : () -> ()
    return
  }
}

module attributes {stable_mosaic.version = 14 : i64} {
  func.func @_stage1_body(%arg0: i32, %arg1: memref<256x8x128xf32, #tpu.memory_space<vmem>>, %arg2: memref<16x128xf32, #tpu.memory_space<vmem>>, %arg3: memref<16x128xf32, #tpu.memory_space<vmem>>, %arg4: memref<256x128xf32, #tpu.memory_space<vmem>>, %arg5: memref<256x128xf32, #tpu.memory_space<vmem>>) attributes {dimension_semantics = [#tpu.dimension_semantics<arbitrary>], iteration_bounds = array<i64: 5>, scalar_prefetch = 0 : i64, scratch_operands = 0 : i64, tpu.core_type = #tpu.core_type<tc>, window_params = [{transform_indices = @transform_0, window_bounds = array<i64: 256, 8, 128>}, {pipeline_mode = #tpu.pipeline_mode<synchronous>, transform_indices = @transform_1, window_bounds = array<i64: 16, 128>}, {pipeline_mode = #tpu.pipeline_mode<synchronous>, transform_indices = @transform_2, window_bounds = array<i64: 16, 128>}, {transform_indices = @transform_3, window_bounds = array<i64: 256, 128>}, {transform_indices = @transform_4, window_bounds = array<i64: 256, 128>}]} {
    %get3A = arith.constant 0 : index
    %get3A_0 = arith.constant 0 : index
    %get3A_1 = arith.constant 0 : index
    %get3A_2 = vector.load %arg1[%get3A, %get3A_0, %get3A_1] : memref<256x8x128xf32, #tpu.memory_space<vmem>>, vector<256x8x128xf32>
    %get3A_3 = arith.constant 0 : index
    %get3A_4 = arith.constant 0 : index
    %get3A_5 = vector.load %arg2[%get3A_3, %get3A_4] : memref<16x128xf32, #tpu.memory_space<vmem>>, vector<16x128xf32>
    %get3A_6 = arith.constant 0 : index
    %get3A_7 = arith.constant 0 : index
    %get3A_8 = vector.load %arg3[%get3A_6, %get3A_7] : memref<16x128xf32, #tpu.memory_space<vmem>>, vector<16x128xf32>
    %slice3A = vector.extract_strided_slice %get3A_2 {offsets = [0, 0, 0], sizes = [256, 1, 128], strides = [1, 1, 1]} : vector<256x8x128xf32> to vector<256x1x128xf32>
    %squeeze3A = vector.shape_cast %slice3A : vector<256x1x128xf32> to vector<256x128xf32>
    %dot_general3A = arith.constant dense<0.000000e+00> : vector<256x16xf32>
    %dot_general3A_9 = tpu.matmul %squeeze3A, %get3A_5, %dot_general3A {dimension_numbers = #tpu.dot_dimension_numbers<[1], [1], [0], [0], [0, 0, 1, 0], [], []>, transpose_lhs_hint = false} : vector<256x128xf32>, vector<16x128xf32>, vector<256x16xf32> -> vector<256x16xf32>
    %slice3A_10 = vector.extract_strided_slice %get3A_2 {offsets = [0, 1, 0], sizes = [256, 1, 128], strides = [1, 1, 1]} : vector<256x8x128xf32> to vector<256x1x128xf32>
    %squeeze3A_11 = vector.shape_cast %slice3A_10 : vector<256x1x128xf32> to vector<256x128xf32>
    %dot_general3A_12 = arith.constant dense<0.000000e+00> : vector<256x16xf32>
    %dot_general3A_13 = tpu.matmul %squeeze3A_11, %get3A_5, %dot_general3A_12 {dimension_numbers = #tpu.dot_dimension_numbers<[1], [1], [0], [0], [0, 0, 1, 0], [], []>, transpose_lhs_hint = false} : vector<256x128xf32>, vector<16x128xf32>, vector<256x16xf32> -> vector<256x16xf32>
    %slice3A_14 = vector.extract_strided_slice %get3A_2 {offsets = [0, 2, 0], sizes = [256, 1, 128], strides = [1, 1, 1]} : vector<256x8x128xf32> to vector<256x1x128xf32>
    %squeeze3A_15 = vector.shape_cast %slice3A_14 : vector<256x1x128xf32> to vector<256x128xf32>
    %dot_general3A_16 = arith.constant dense<0.000000e+00> : vector<256x16xf32>
    %dot_general3A_17 = tpu.matmul %squeeze3A_15, %get3A_5, %dot_general3A_16 {dimension_numbers = #tpu.dot_dimension_numbers<[1], [1], [0], [0], [0, 0, 1, 0], [], []>, transpose_lhs_hint = false} : vector<256x128xf32>, vector<16x128xf32>, vector<256x16xf32> -> vector<256x16xf32>
    %slice3A_18 = vector.extract_strided_slice %get3A_2 {offsets = [0, 3, 0], sizes = [256, 1, 128], strides = [1, 1, 1]} : vector<256x8x128xf32> to vector<256x1x128xf32>
    %squeeze3A_19 = vector.shape_cast %slice3A_18 : vector<256x1x128xf32> to vector<256x128xf32>
    %dot_general3A_20 = arith.constant dense<0.000000e+00> : vector<256x16xf32>
    %dot_general3A_21 = tpu.matmul %squeeze3A_19, %get3A_5, %dot_general3A_20 {dimension_numbers = #tpu.dot_dimension_numbers<[1], [1], [0], [0], [0, 0, 1, 0], [], []>, transpose_lhs_hint = false} : vector<256x128xf32>, vector<16x128xf32>, vector<256x16xf32> -> vector<256x16xf32>
    %slice3A_22 = vector.extract_strided_slice %get3A_2 {offsets = [0, 4, 0], sizes = [256, 1, 128], strides = [1, 1, 1]} : vector<256x8x128xf32> to vector<256x1x128xf32>
    %squeeze3A_23 = vector.shape_cast %slice3A_22 : vector<256x1x128xf32> to vector<256x128xf32>
    %dot_general3A_24 = arith.constant dense<0.000000e+00> : vector<256x16xf32>
    %dot_general3A_25 = tpu.matmul %squeeze3A_23, %get3A_5, %dot_general3A_24 {dimension_numbers = #tpu.dot_dimension_numbers<[1], [1], [0], [0], [0, 0, 1, 0], [], []>, transpose_lhs_hint = false} : vector<256x128xf32>, vector<16x128xf32>, vector<256x16xf32> -> vector<256x16xf32>
    %slice3A_26 = vector.extract_strided_slice %get3A_2 {offsets = [0, 5, 0], sizes = [256, 1, 128], strides = [1, 1, 1]} : vector<256x8x128xf32> to vector<256x1x128xf32>
    %squeeze3A_27 = vector.shape_cast %slice3A_26 : vector<256x1x128xf32> to vector<256x128xf32>
    %dot_general3A_28 = arith.constant dense<0.000000e+00> : vector<256x16xf32>
    %dot_general3A_29 = tpu.matmul %squeeze3A_27, %get3A_5, %dot_general3A_28 {dimension_numbers = #tpu.dot_dimension_numbers<[1], [1], [0], [0], [0, 0, 1, 0], [], []>, transpose_lhs_hint = false} : vector<256x128xf32>, vector<16x128xf32>, vector<256x16xf32> -> vector<256x16xf32>
    %slice3A_30 = vector.extract_strided_slice %get3A_2 {offsets = [0, 6, 0], sizes = [256, 1, 128], strides = [1, 1, 1]} : vector<256x8x128xf32> to vector<256x1x128xf32>
    %squeeze3A_31 = vector.shape_cast %slice3A_30 : vector<256x1x128xf32> to vector<256x128xf32>
    %dot_general3A_32 = arith.constant dense<0.000000e+00> : vector<256x16xf32>
    %dot_general3A_33 = tpu.matmul %squeeze3A_31, %get3A_5, %dot_general3A_32 {dimension_numbers = #tpu.dot_dimension_numbers<[1], [1], [0], [0], [0, 0, 1, 0], [], []>, transpose_lhs_hint = false} : vector<256x128xf32>, vector<16x128xf32>, vector<256x16xf32> -> vector<256x16xf32>
    %slice3A_34 = vector.extract_strided_slice %get3A_2 {offsets = [0, 7, 0], sizes = [256, 1, 128], strides = [1, 1, 1]} : vector<256x8x128xf32> to vector<256x1x128xf32>
    %squeeze3A_35 = vector.shape_cast %slice3A_34 : vector<256x1x128xf32> to vector<256x128xf32>
    %dot_general3A_36 = arith.constant dense<0.000000e+00> : vector<256x16xf32>
    %dot_general3A_37 = tpu.matmul %squeeze3A_35, %get3A_5, %dot_general3A_36 {dimension_numbers = #tpu.dot_dimension_numbers<[1], [1], [0], [0], [0, 0, 1, 0], [], []>, transpose_lhs_hint = false} : vector<256x128xf32>, vector<16x128xf32>, vector<256x16xf32> -> vector<256x16xf32>
    %concatenate3A = tpu.concatenate %dot_general3A_9, %dot_general3A_13, %dot_general3A_17, %dot_general3A_21, %dot_general3A_25, %dot_general3A_29, %dot_general3A_33, %dot_general3A_37 in 1 : vector<256x16xf32>, vector<256x16xf32>, vector<256x16xf32>, vector<256x16xf32>, vector<256x16xf32>, vector<256x16xf32>, vector<256x16xf32>, vector<256x16xf32> -> vector<256x128xf32>
    %swap3A = arith.constant 0 : index
    %swap3A_38 = arith.constant 0 : index
    %swap3A_39 = vector.load %arg4[%swap3A, %swap3A_38] : memref<256x128xf32, #tpu.memory_space<vmem>>, vector<256x128xf32>
    tpu.vector_store %arg4[%swap3A, %swap3A_38], %concatenate3A {strides = array<i32>} : memref<256x128xf32, #tpu.memory_space<vmem>>, vector<256x128xf32>,
    %slice3A_40 = vector.extract_strided_slice %get3A_2 {offsets = [0, 0, 0], sizes = [256, 1, 128], strides = [1, 1, 1]} : vector<256x8x128xf32> to vector<256x1x128xf32>
    %squeeze3A_41 = vector.shape_cast %slice3A_40 : vector<256x1x128xf32> to vector<256x128xf32>
    %dot_general3A_42 = arith.constant dense<0.000000e+00> : vector<256x16xf32>
    %dot_general3A_43 = tpu.matmul %squeeze3A_41, %get3A_8, %dot_general3A_42 {dimension_numbers = #tpu.dot_dimension_numbers<[1], [1], [0], [0], [0, 0, 1, 0], [], []>, transpose_lhs_hint = false} : vector<256x128xf32>, vector<16x128xf32>, vector<256x16xf32> -> vector<256x16xf32>
    %slice3A_44 = vector.extract_strided_slice %get3A_2 {offsets = [0, 1, 0], sizes = [256, 1, 128], strides = [1, 1, 1]} : vector<256x8x128xf32> to vector<256x1x128xf32>
    %squeeze3A_45 = vector.shape_cast %slice3A_44 : vector<256x1x128xf32> to vector<256x128xf32>
    %dot_general3A_46 = arith.constant dense<0.000000e+00> : vector<256x16xf32>
    %dot_general3A_47 = tpu.matmul %squeeze3A_45, %get3A_8, %dot_general3A_46 {dimension_numbers = #tpu.dot_dimension_numbers<[1], [1], [0], [0], [0, 0, 1, 0], [], []>, transpose_lhs_hint = false} : vector<256x128xf32>, vector<16x128xf32>, vector<256x16xf32> -> vector<256x16xf32>
    %slice3A_48 = vector.extract_strided_slice %get3A_2 {offsets = [0, 2, 0], sizes = [256, 1, 128], strides = [1, 1, 1]} : vector<256x8x128xf32> to vector<256x1x128xf32>
    %squeeze3A_49 = vector.shape_cast %slice3A_48 : vector<256x1x128xf32> to vector<256x128xf32>
    %dot_general3A_50 = arith.constant dense<0.000000e+00> : vector<256x16xf32>
    %dot_general3A_51 = tpu.matmul %squeeze3A_49, %get3A_8, %dot_general3A_50 {dimension_numbers = #tpu.dot_dimension_numbers<[1], [1], [0], [0], [0, 0, 1, 0], [], []>, transpose_lhs_hint = false} : vector<256x128xf32>, vector<16x128xf32>, vector<256x16xf32> -> vector<256x16xf32>
    %slice3A_52 = vector.extract_strided_slice %get3A_2 {offsets = [0, 3, 0], sizes = [256, 1, 128], strides = [1, 1, 1]} : vector<256x8x128xf32> to vector<256x1x128xf32>
    %squeeze3A_53 = vector.shape_cast %slice3A_52 : vector<256x1x128xf32> to vector<256x128xf32>
    %dot_general3A_54 = arith.constant dense<0.000000e+00> : vector<256x16xf32>
    %dot_general3A_55 = tpu.matmul %squeeze3A_53, %get3A_8, %dot_general3A_54 {dimension_numbers = #tpu.dot_dimension_numbers<[1], [1], [0], [0], [0, 0, 1, 0], [], []>, transpose_lhs_hint = false} : vector<256x128xf32>, vector<16x128xf32>, vector<256x16xf32> -> vector<256x16xf32>
    %slice3A_56 = vector.extract_strided_slice %get3A_2 {offsets = [0, 4, 0], sizes = [256, 1, 128], strides = [1, 1, 1]} : vector<256x8x128xf32> to vector<256x1x128xf32>
    %squeeze3A_57 = vector.shape_cast %slice3A_56 : vector<256x1x128xf32> to vector<256x128xf32>
    %dot_general3A_58 = arith.constant dense<0.000000e+00> : vector<256x16xf32>
    %dot_general3A_59 = tpu.matmul %squeeze3A_57, %get3A_8, %dot_general3A_58 {dimension_numbers = #tpu.dot_dimension_numbers<[1], [1], [0], [0], [0, 0, 1, 0], [], []>, transpose_lhs_hint = false} : vector<256x128xf32>, vector<16x128xf32>, vector<256x16xf32> -> vector<256x16xf32>
    %slice3A_60 = vector.extract_strided_slice %get3A_2 {offsets = [0, 5, 0], sizes = [256, 1, 128], strides = [1, 1, 1]} : vector<256x8x128xf32> to vector<256x1x128xf32>
    %squeeze3A_61 = vector.shape_cast %slice3A_60 : vector<256x1x128xf32> to vector<256x128xf32>
    %dot_general3A_62 = arith.constant dense<0.000000e+00> : vector<256x16xf32>
    %dot_general3A_63 = tpu.matmul %squeeze3A_61, %get3A_8, %dot_general3A_62 {dimension_numbers = #tpu.dot_dimension_numbers<[1], [1], [0], [0], [0, 0, 1, 0], [], []>, transpose_lhs_hint = false} : vector<256x128xf32>, vector<16x128xf32>, vector<256x16xf32> -> vector<256x16xf32>
    %slice3A_64 = vector.extract_strided_slice %get3A_2 {offsets = [0, 6, 0], sizes = [256, 1, 128], strides = [1, 1, 1]} : vector<256x8x128xf32> to vector<256x1x128xf32>
    %squeeze3A_65 = vector.shape_cast %slice3A_64 : vector<256x1x128xf32> to vector<256x128xf32>
    %dot_general3A_66 = arith.constant dense<0.000000e+00> : vector<256x16xf32>
    %dot_general3A_67 = tpu.matmul %squeeze3A_65, %get3A_8, %dot_general3A_66 {dimension_numbers = #tpu.dot_dimension_numbers<[1], [1], [0], [0], [0, 0, 1, 0], [], []>, transpose_lhs_hint = false} : vector<256x128xf32>, vector<16x128xf32>, vector<256x16xf32> -> vector<256x16xf32>
    %slice3A_68 = vector.extract_strided_slice %get3A_2 {offsets = [0, 7, 0], sizes = [256, 1, 128], strides = [1, 1, 1]} : vector<256x8x128xf32> to vector<256x1x128xf32>
    %squeeze3A_69 = vector.shape_cast %slice3A_68 : vector<256x1x128xf32> to vector<256x128xf32>
    %dot_general3A_70 = arith.constant dense<0.000000e+00> : vector<256x16xf32>
    %dot_general3A_71 = tpu.matmul %squeeze3A_69, %get3A_8, %dot_general3A_70 {dimension_numbers = #tpu.dot_dimension_numbers<[1], [1], [0], [0], [0, 0, 1, 0], [], []>, transpose_lhs_hint = false} : vector<256x128xf32>, vector<16x128xf32>, vector<256x16xf32> -> vector<256x16xf32>
    %concatenate3A_72 = tpu.concatenate %dot_general3A_43, %dot_general3A_47, %dot_general3A_51, %dot_general3A_55, %dot_general3A_59, %dot_general3A_63, %dot_general3A_67, %dot_general3A_71 in 1 : vector<256x16xf32>, vector<256x16xf32>, vector<256x16xf32>, vector<256x16xf32>, vector<256x16xf32>, vector<256x16xf32>, vector<256x16xf32>, vector<256x16xf32> -> vector<256x128xf32>
    %swap3A_73 = arith.constant 0 : index
    %swap3A_74 = arith.constant 0 : index
    %swap3A_75 = vector.load %arg5[%swap3A_73, %swap3A_74] : memref<256x128xf32, #tpu.memory_space<vmem>>, vector<256x128xf32>
    tpu.vector_store %arg5[%swap3A_73, %swap3A_74], %concatenate3A_72 {strides = array<i32>} : memref<256x128xf32, #tpu.memory_space<vmem>>, vector<256x128xf32>,
    return
  }
  func.func @transform_0(%arg0: i32) -> (i32, i32, i32) {
    %c0_i32 = arith.constant 0 : i32
    %c0_i32_0 = arith.constant 0 : i32
    %c0_i32_1 = arith.constant 0 : i32
    return %arg0, %c0_i32, %c0_i32_0 : i32, i32, i32
  }
  func.func @transform_1(%arg0: i32) -> (i32, i32) {
    %c0_i32 = arith.constant 0 : i32
    %c0_i32_0 = arith.constant 0 : i32
    %c0_i32_1 = arith.constant 0 : i32
    return %c0_i32, %c0_i32_0 : i32, i32
  }
  func.func @transform_2(%arg0: i32) -> (i32, i32) {
    %c0_i32 = arith.constant 0 : i32
    %c0_i32_0 = arith.constant 0 : i32
    %c0_i32_1 = arith.constant 0 : i32
    return %c0_i32, %c0_i32_0 : i32, i32
  }
  func.func @transform_3(%arg0: i32) -> (i32, i32) {
    %c0_i32 = arith.constant 0 : i32
    %c0_i32_0 = arith.constant 0 : i32
    return %arg0, %c0_i32 : i32, i32
  }
  func.func @transform_4(%arg0: i32) -> (i32, i32) {
    %c0_i32 = arith.constant 0 : i32
    %c0_i32_0 = arith.constant 0 : i32
    return %arg0, %c0_i32 : i32, i32
  }
}

module attributes {stable_mosaic.version = 14 : i64} {
  func.func @_mid_first_body(%arg0: i32, %arg1: memref<1x256x128xf32, #tpu.memory_space<vmem>>, %arg2: memref<1x256x128xf32, #tpu.memory_space<vmem>>, %arg3: memref<1x256x8xf32, #tpu.memory_space<vmem>>, %arg4: memref<1x256x8xf32, #tpu.memory_space<vmem>>, %arg5: memref<256x128xf32, #tpu.memory_space<vmem>>, %arg6: memref<1x128xf32, #tpu.memory_space<vmem>>, %arg7: memref<128x128xf32, #tpu.memory_space<vmem>>, %arg8: memref<128x128xf32, #tpu.memory_space<vmem>>, %arg9: memref<8x128xf32, #tpu.memory_space<vmem>>, %arg10: memref<256x128xf32, #tpu.memory_space<vmem>>, %arg11: memref<256x128xf32, #tpu.memory_space<vmem>>, %arg12: memref<256x128xf32, #tpu.memory_space<vmem>>) attributes {dimension_semantics = [#tpu.dimension_semantics<arbitrary>], iteration_bounds = array<i64: 5>, scalar_prefetch = 0 : i64, scratch_operands = 0 : i64, tpu.core_type = #tpu.core_type<tc>, window_params = [{transform_indices = @transform_0, window_bounds = array<i64: 1, 256, 128>}, {transform_indices = @transform_1, window_bounds = array<i64: 1, 256, 128>}, {transform_indices = @transform_2, window_bounds = array<i64: 1, 256, 8>}, {transform_indices = @transform_3, window_bounds = array<i64: 1, 256, 8>}, {transform_indices = @transform_4, window_bounds = array<i64: 256, 128>}, {pipeline_mode = #tpu.pipeline_mode<synchronous>, transform_indices = @transform_5, window_bounds = array<i64: 1, 128>}, {pipeline_mode = #tpu.pipeline_mode<synchronous>, transform_indices = @transform_6, window_bounds = array<i64: 128, 128>}, {pipeline_mode = #tpu.pipeline_mode<synchronous>, transform_indices = @transform_7, window_bounds = array<i64: 128, 128>}, {pipeline_mode = #tpu.pipeline_mode<synchronous>, transform_indices = @transform_8, window_bounds = array<i64: 8, 128>}, {transform_indices = @transform_9, window_bounds = array<i64: 256, 128>}, {transform_indices = @transform_10, window_bounds = array<i64: 256, 128>}, {transform_indices = @transform_11, window_bounds = array<i64: 256, 128>}]} {
    %get3A = arith.constant 0 : index
    %get3A_0 = arith.constant 0 : index
    %get3A_1 = arith.constant 0 : index
    %get3A_2 = vector.load %arg3[%get3A, %get3A_0, %get3A_1] : memref<1x256x8xf32, #tpu.memory_space<vmem>>, vector<1x256x8xf32>
    %get3A_3 = vector.shape_cast %get3A_2 : vector<1x256x8xf32> to vector<256x8xf32>
    %get3A_4 = arith.constant 0 : index
    %get3A_5 = arith.constant 0 : index
    %get3A_6 = arith.constant 0 : index
    %get3A_7 = vector.load %arg4[%get3A_4, %get3A_5, %get3A_6] : memref<1x256x8xf32, #tpu.memory_space<vmem>>, vector<1x256x8xf32>
    %get3A_8 = vector.shape_cast %get3A_7 : vector<1x256x8xf32> to vector<256x8xf32>
    %add3A = arith.addf %get3A_3, %get3A_8 : vector<256x8xf32>
    %get3A_9 = arith.constant 0 : index
    %get3A_10 = arith.constant 0 : index
    %get3A_11 = vector.load %arg9[%get3A_9, %get3A_10] : memref<8x128xf32, #tpu.memory_space<vmem>>, vector<8x128xf32>
    %dot_general3A = arith.constant dense<0.000000e+00> : vector<256x128xf32>
    %dot_general3A_12 = tpu.matmul %add3A, %get3A_11, %dot_general3A {dimension_numbers = #tpu.dot_dimension_numbers<[1], [0], [0], [1], [0, 0, 1, 1], [], []>, transpose_lhs_hint = false} : vector<256x8xf32>, vector<8x128xf32>, vector<256x128xf32> -> vector<256x128xf32>
    %max3A = arith.constant 1.000000e+00 : f32
    %max3A_13 = vector.broadcast %max3A : f32 to vector<256x128xf32>
    %max3A_14 = arith.maximumf %dot_general3A_12, %max3A_13 : vector<256x128xf32>
    %div3A = arith.constant 1.000000e+00 : f32
    %div3A_15 = vector.broadcast %div3A : f32 to vector<256x128xf32>
    %div3A_16 = arith.divf %div3A_15, %max3A_14 : vector<256x128xf32>
    %get3A_17 = arith.constant 0 : index
    %get3A_18 = arith.constant 0 : index
    %get3A_19 = arith.constant 0 : index
    %get3A_20 = vector.load %arg1[%get3A_17, %get3A_18, %get3A_19] : memref<1x256x128xf32, #tpu.memory_space<vmem>>, vector<1x256x128xf32>
    %get3A_21 = vector.shape_cast %get3A_20 : vector<1x256x128xf32> to vector<256x128xf32>
    %get3A_22 = arith.constant 0 : index
    %get3A_23 = arith.constant 0 : index
    %get3A_24 = arith.constant 0 : index
    %get3A_25 = vector.load %arg2[%get3A_22, %get3A_23, %get3A_24] : memref<1x256x128xf32, #tpu.memory_space<vmem>>, vector<1x256x128xf32>
    %get3A_26 = vector.shape_cast %get3A_25 : vector<1x256x128xf32> to vector<256x128xf32>
    %add3A_27 = arith.addf %get3A_21, %get3A_26 : vector<256x128xf32>
    %mul3A = arith.mulf %add3A_27, %div3A_16 : vector<256x128xf32>
    %get3A_28 = arith.constant 0 : index
    %get3A_29 = arith.constant 0 : index
    %get3A_30 = vector.load %arg6[%get3A_28, %get3A_29] : memref<1x128xf32, #tpu.memory_space<vmem>>, vector<1x128xf32>
    %add3A_31 = vector.broadcast %get3A_30 : vector<1x128xf32> to vector<256x128xf32>
    %add3A_32 = arith.addf %mul3A, %add3A_31 : vector<256x128xf32>
    %get3A_33 = arith.constant 0 : index
    %get3A_34 = arith.constant 0 : index
    %get3A_35 = vector.load %arg5[%get3A_33, %get3A_34] : memref<256x128xf32, #tpu.memory_space<vmem>>, vector<256x128xf32>
    %add3A_36 = arith.addf %add3A_32, %get3A_35 : vector<256x128xf32>
    %max3A_37 = arith.constant 0.000000e+00 : f32
    %max3A_38 = vector.broadcast %max3A_37 : f32 to vector<256x128xf32>
    %max3A_39 = arith.maximumf %add3A_36, %max3A_38 : vector<256x128xf32>
    %get3A_40 = arith.constant 0 : index
    %get3A_41 = arith.constant 0 : index
    %get3A_42 = vector.load %arg7[%get3A_40, %get3A_41] : memref<128x128xf32, #tpu.memory_space<vmem>>, vector<128x128xf32>
    %dot_general3A_43 = arith.constant dense<0.000000e+00> : vector<256x128xf32>
    %dot_general3A_44 = tpu.matmul %max3A_39, %get3A_42, %dot_general3A_43 {dimension_numbers = #tpu.dot_dimension_numbers<[1], [0], [0], [1], [0, 0, 1, 1], [], []>, transpose_lhs_hint = false} : vector<256x128xf32>, vector<128x128xf32>, vector<256x128xf32> -> vector<256x128xf32>
    %swap3A = arith.constant 0 : index
    %swap3A_45 = arith.constant 0 : index
    %swap3A_46 = vector.load %arg10[%swap3A, %swap3A_45] : memref<256x128xf32, #tpu.memory_space<vmem>>, vector<256x128xf32>
    tpu.vector_store %arg10[%swap3A, %swap3A_45], %dot_general3A_44 {strides = array<i32>} : memref<256x128xf32, #tpu.memory_space<vmem>>, vector<256x128xf32>,
    %get3A_47 = arith.constant 0 : index
    %get3A_48 = arith.constant 0 : index
    %get3A_49 = vector.load %arg8[%get3A_47, %get3A_48] : memref<128x128xf32, #tpu.memory_space<vmem>>, vector<128x128xf32>
    %dot_general3A_50 = arith.constant dense<0.000000e+00> : vector<256x128xf32>
    %dot_general3A_51 = tpu.matmul %max3A_39, %get3A_49, %dot_general3A_50 {dimension_numbers = #tpu.dot_dimension_numbers<[1], [0], [0], [1], [0, 0, 1, 1], [], []>, transpose_lhs_hint = false} : vector<256x128xf32>, vector<128x128xf32>, vector<256x128xf32> -> vector<256x128xf32>
    %swap3A_52 = arith.constant 0 : index
    %swap3A_53 = arith.constant 0 : index
    %swap3A_54 = vector.load %arg11[%swap3A_52, %swap3A_53] : memref<256x128xf32, #tpu.memory_space<vmem>>, vector<256x128xf32>
    tpu.vector_store %arg11[%swap3A_52, %swap3A_53], %dot_general3A_51 {strides = array<i32>} : memref<256x128xf32, #tpu.memory_space<vmem>>, vector<256x128xf32>,
    %swap3A_55 = arith.constant 0 : index
    %swap3A_56 = arith.constant 0 : index
    %swap3A_57 = vector.load %arg12[%swap3A_55, %swap3A_56] : memref<256x128xf32, #tpu.memory_space<vmem>>, vector<256x128xf32>
    tpu.vector_store %arg12[%swap3A_55, %swap3A_56], %div3A_16 {strides = array<i32>} : memref<256x128xf32, #tpu.memory_space<vmem>>, vector<256x128xf32>,
    return
  }
  func.func @transform_0(%arg0: i32) -> (i32, i32, i32) {
    %c0_i32 = arith.constant 0 : i32
    %c0_i32_0 = arith.constant 0 : i32
    %c0_i32_1 = arith.constant 0 : i32
    return %c0_i32, %arg0, %c0_i32_0 : i32, i32, i32
  }
  func.func @transform_1(%arg0: i32) -> (i32, i32, i32) {
    %c1_i32 = arith.constant 1 : i32
    %c0_i32 = arith.constant 0 : i32
    %c0_i32_0 = arith.constant 0 : i32
    return %c1_i32, %arg0, %c0_i32 : i32, i32, i32
  }
  func.func @transform_2(%arg0: i32) -> (i32, i32, i32) {
    %c0_i32 = arith.constant 0 : i32
    %c0_i32_0 = arith.constant 0 : i32
    %c0_i32_1 = arith.constant 0 : i32
    return %c0_i32, %arg0, %c0_i32_0 : i32, i32, i32
  }
  func.func @transform_3(%arg0: i32) -> (i32, i32, i32) {
    %c1_i32 = arith.constant 1 : i32
    %c0_i32 = arith.constant 0 : i32
    %c0_i32_0 = arith.constant 0 : i32
    return %c1_i32, %arg0, %c0_i32 : i32, i32, i32
  }
  func.func @transform_4(%arg0: i32) -> (i32, i32) {
    %c0_i32 = arith.constant 0 : i32
    %c0_i32_0 = arith.constant 0 : i32
    return %arg0, %c0_i32 : i32, i32
  }
  func.func @transform_5(%arg0: i32) -> (i32, i32) {
    %c0_i32 = arith.constant 0 : i32
    %c0_i32_0 = arith.constant 0 : i32
    %c0_i32_1 = arith.constant 0 : i32
    return %c0_i32, %c0_i32_0 : i32, i32
  }
  func.func @transform_6(%arg0: i32) -> (i32, i32) {
    %c0_i32 = arith.constant 0 : i32
    %c0_i32_0 = arith.constant 0 : i32
    %c0_i32_1 = arith.constant 0 : i32
    return %c0_i32, %c0_i32_0 : i32, i32
  }
  func.func @transform_7(%arg0: i32) -> (i32, i32) {
    %c0_i32 = arith.constant 0 : i32
    %c0_i32_0 = arith.constant 0 : i32
    %c0_i32_1 = arith.constant 0 : i32
    return %c0_i32, %c0_i32_0 : i32, i32
  }
  func.func @transform_8(%arg0: i32) -> (i32, i32) {
    %c0_i32 = arith.constant 0 : i32
    %c0_i32_0 = arith.constant 0 : i32
    %c0_i32_1 = arith.constant 0 : i32
    return %c0_i32, %c0_i32_0 : i32, i32
  }
  func.func @transform_9(%arg0: i32) -> (i32, i32) {
    %c0_i32 = arith.constant 0 : i32
    %c0_i32_0 = arith.constant 0 : i32
    return %arg0, %c0_i32 : i32, i32
  }
  func.func @transform_10(%arg0: i32) -> (i32, i32) {
    %c0_i32 = arith.constant 0 : i32
    %c0_i32_0 = arith.constant 0 : i32
    return %arg0, %c0_i32 : i32, i32
  }
  func.func @transform_11(%arg0: i32) -> (i32, i32) {
    %c0_i32 = arith.constant 0 : i32
    %c0_i32_0 = arith.constant 0 : i32
    return %arg0, %c0_i32 : i32, i32
  }
}

module attributes {stable_mosaic.version = 14 : i64} {
  func.func @_mid_body(%arg0: i32, %arg1: memref<1x256x128xf32, #tpu.memory_space<vmem>>, %arg2: memref<1x256x128xf32, #tpu.memory_space<vmem>>, %arg3: memref<256x128xf32, #tpu.memory_space<vmem>>, %arg4: memref<256x128xf32, #tpu.memory_space<vmem>>, %arg5: memref<1x128xf32, #tpu.memory_space<vmem>>, %arg6: memref<128x128xf32, #tpu.memory_space<vmem>>, %arg7: memref<128x128xf32, #tpu.memory_space<vmem>>, %arg8: memref<256x128xf32, #tpu.memory_space<vmem>>, %arg9: memref<256x128xf32, #tpu.memory_space<vmem>>) attributes {dimension_semantics = [#tpu.dimension_semantics<arbitrary>], iteration_bounds = array<i64: 5>, scalar_prefetch = 0 : i64, scratch_operands = 0 : i64, tpu.core_type = #tpu.core_type<tc>, window_params = [{transform_indices = @transform_0, window_bounds = array<i64: 1, 256, 128>}, {transform_indices = @transform_1, window_bounds = array<i64: 1, 256, 128>}, {transform_indices = @transform_2, window_bounds = array<i64: 256, 128>}, {transform_indices = @transform_3, window_bounds = array<i64: 256, 128>}, {pipeline_mode = #tpu.pipeline_mode<synchronous>, transform_indices = @transform_4, window_bounds = array<i64: 1, 128>}, {pipeline_mode = #tpu.pipeline_mode<synchronous>, transform_indices = @transform_5, window_bounds = array<i64: 128, 128>}, {pipeline_mode = #tpu.pipeline_mode<synchronous>, transform_indices = @transform_6, window_bounds = array<i64: 128, 128>}, {transform_indices = @transform_7, window_bounds = array<i64: 256, 128>}, {transform_indices = @transform_8, window_bounds = array<i64: 256, 128>}]} {
    %get3A = arith.constant 0 : index
    %get3A_0 = arith.constant 0 : index
    %get3A_1 = arith.constant 0 : index
    %get3A_2 = vector.load %arg1[%get3A, %get3A_0, %get3A_1] : memref<1x256x128xf32, #tpu.memory_space<vmem>>, vector<1x256x128xf32>
    %get3A_3 = vector.shape_cast %get3A_2 : vector<1x256x128xf32> to vector<256x128xf32>
    %get3A_4 = arith.constant 0 : index
    %get3A_5 = arith.constant 0 : index
    %get3A_6 = arith.constant 0 : index
    %get3A_7 = vector.load %arg2[%get3A_4, %get3A_5, %get3A_6] : memref<1x256x128xf32, #tpu.memory_space<vmem>>, vector<1x256x128xf32>
    %get3A_8 = vector.shape_cast %get3A_7 : vector<1x256x128xf32> to vector<256x128xf32>
    %add3A = arith.addf %get3A_3, %get3A_8 : vector<256x128xf32>
    %get3A_9 = arith.constant 0 : index
    %get3A_10 = arith.constant 0 : index
    %get3A_11 = vector.load %arg3[%get3A_9, %get3A_10] : memref<256x128xf32, #tpu.memory_space<vmem>>, vector<256x128xf32>
    %mul3A = arith.mulf %add3A, %get3A_11 : vector<256x128xf32>
    %get3A_12 = arith.constant 0 : index
    %get3A_13 = arith.constant 0 : index
    %get3A_14 = vector.load %arg5[%get3A_12, %get3A_13] : memref<1x128xf32, #tpu.memory_space<vmem>>, vector<1x128xf32>
    %add3A_15 = vector.broadcast %get3A_14 : vector<1x128xf32> to vector<256x128xf32>
    %add3A_16 = arith.addf %mul3A, %add3A_15 : vector<256x128xf32>
    %get3A_17 = arith.constant 0 : index
    %get3A_18 = arith.constant 0 : index
    %get3A_19 = vector.load %arg4[%get3A_17, %get3A_18] : memref<256x128xf32, #tpu.memory_space<vmem>>, vector<256x128xf32>
    %add3A_20 = arith.addf %add3A_16, %get3A_19 : vector<256x128xf32>
    %max3A = arith.constant 0.000000e+00 : f32
    %max3A_21 = vector.broadcast %max3A : f32 to vector<256x128xf32>
    %max3A_22 = arith.maximumf %add3A_20, %max3A_21 : vector<256x128xf32>
    %get3A_23 = arith.constant 0 : index
    %get3A_24 = arith.constant 0 : index
    %get3A_25 = vector.load %arg6[%get3A_23, %get3A_24] : memref<128x128xf32, #tpu.memory_space<vmem>>, vector<128x128xf32>
    %dot_general3A = arith.constant dense<0.000000e+00> : vector<256x128xf32>
    %dot_general3A_26 = tpu.matmul %max3A_22, %get3A_25, %dot_general3A {dimension_numbers = #tpu.dot_dimension_numbers<[1], [0], [0], [1], [0, 0, 1, 1], [], []>, transpose_lhs_hint = false} : vector<256x128xf32>, vector<128x128xf32>, vector<256x128xf32> -> vector<256x128xf32>
    %swap3A = arith.constant 0 : index
    %swap3A_27 = arith.constant 0 : index
    %swap3A_28 = vector.load %arg8[%swap3A, %swap3A_27] : memref<256x128xf32, #tpu.memory_space<vmem>>, vector<256x128xf32>
    tpu.vector_store %arg8[%swap3A, %swap3A_27], %dot_general3A_26 {strides = array<i32>} : memref<256x128xf32, #tpu.memory_space<vmem>>, vector<256x128xf32>,
    %get3A_29 = arith.constant 0 : index
    %get3A_30 = arith.constant 0 : index
    %get3A_31 = vector.load %arg7[%get3A_29, %get3A_30] : memref<128x128xf32, #tpu.memory_space<vmem>>, vector<128x128xf32>
    %dot_general3A_32 = arith.constant dense<0.000000e+00> : vector<256x128xf32>
    %dot_general3A_33 = tpu.matmul %max3A_22, %get3A_31, %dot_general3A_32 {dimension_numbers = #tpu.dot_dimension_numbers<[1], [0], [0], [1], [0, 0, 1, 1], [], []>, transpose_lhs_hint = false} : vector<256x128xf32>, vector<128x128xf32>, vector<256x128xf32> -> vector<256x128xf32>
    %swap3A_34 = arith.constant 0 : index
    %swap3A_35 = arith.constant 0 : index
    %swap3A_36 = vector.load %arg9[%swap3A_34, %swap3A_35] : memref<256x128xf32, #tpu.memory_space<vmem>>, vector<256x128xf32>
    tpu.vector_store %arg9[%swap3A_34, %swap3A_35], %dot_general3A_33 {strides = array<i32>} : memref<256x128xf32, #tpu.memory_space<vmem>>, vector<256x128xf32>,
    return
  }
  func.func @transform_0(%arg0: i32) -> (i32, i32, i32) {
    %c0_i32 = arith.constant 0 : i32
    %c0_i32_0 = arith.constant 0 : i32
    %c0_i32_1 = arith.constant 0 : i32
    return %c0_i32, %arg0, %c0_i32_0 : i32, i32, i32
  }
  func.func @transform_1(%arg0: i32) -> (i32, i32, i32) {
    %c1_i32 = arith.constant 1 : i32
    %c0_i32 = arith.constant 0 : i32
    %c0_i32_0 = arith.constant 0 : i32
    return %c1_i32, %arg0, %c0_i32 : i32, i32, i32
  }
  func.func @transform_2(%arg0: i32) -> (i32, i32) {
    %c0_i32 = arith.constant 0 : i32
    %c0_i32_0 = arith.constant 0 : i32
    return %arg0, %c0_i32 : i32, i32
  }
  func.func @transform_3(%arg0: i32) -> (i32, i32) {
    %c0_i32 = arith.constant 0 : i32
    %c0_i32_0 = arith.constant 0 : i32
    return %arg0, %c0_i32 : i32, i32
  }
  func.func @transform_4(%arg0: i32) -> (i32, i32) {
    %c0_i32 = arith.constant 0 : i32
    %c0_i32_0 = arith.constant 0 : i32
    %c0_i32_1 = arith.constant 0 : i32
    return %c0_i32, %c0_i32_0 : i32, i32
  }
  func.func @transform_5(%arg0: i32) -> (i32, i32) {
    %c0_i32 = arith.constant 0 : i32
    %c0_i32_0 = arith.constant 0 : i32
    %c0_i32_1 = arith.constant 0 : i32
    return %c0_i32, %c0_i32_0 : i32, i32
  }
  func.func @transform_6(%arg0: i32) -> (i32, i32) {
    %c0_i32 = arith.constant 0 : i32
    %c0_i32_0 = arith.constant 0 : i32
    %c0_i32_1 = arith.constant 0 : i32
    return %c0_i32, %c0_i32_0 : i32, i32
  }
  func.func @transform_7(%arg0: i32) -> (i32, i32) {
    %c0_i32 = arith.constant 0 : i32
    %c0_i32_0 = arith.constant 0 : i32
    return %arg0, %c0_i32 : i32, i32
  }
  func.func @transform_8(%arg0: i32) -> (i32, i32) {
    %c0_i32 = arith.constant 0 : i32
    %c0_i32_0 = arith.constant 0 : i32
    return %arg0, %c0_i32 : i32, i32
  }
}

module attributes {stable_mosaic.version = 14 : i64} {
  func.func @_h3_body(%arg0: i32, %arg1: memref<1x256x128xf32, #tpu.memory_space<vmem>>, %arg2: memref<1x256x128xf32, #tpu.memory_space<vmem>>, %arg3: memref<256x128xf32, #tpu.memory_space<vmem>>, %arg4: memref<256x128xf32, #tpu.memory_space<vmem>>, %arg5: memref<1x128xf32, #tpu.memory_space<vmem>>, %arg6: memref<256x128xf32, #tpu.memory_space<vmem>>) attributes {dimension_semantics = [#tpu.dimension_semantics<arbitrary>], iteration_bounds = array<i64: 5>, scalar_prefetch = 0 : i64, scratch_operands = 0 : i64, tpu.core_type = #tpu.core_type<tc>, window_params = [{transform_indices = @transform_0, window_bounds = array<i64: 1, 256, 128>}, {transform_indices = @transform_1, window_bounds = array<i64: 1, 256, 128>}, {transform_indices = @transform_2, window_bounds = array<i64: 256, 128>}, {transform_indices = @transform_3, window_bounds = array<i64: 256, 128>}, {pipeline_mode = #tpu.pipeline_mode<synchronous>, transform_indices = @transform_4, window_bounds = array<i64: 1, 128>}, {transform_indices = @transform_5, window_bounds = array<i64: 256, 128>}]} {
    %get3A = arith.constant 0 : index
    %get3A_0 = arith.constant 0 : index
    %get3A_1 = arith.constant 0 : index
    %get3A_2 = vector.load %arg1[%get3A, %get3A_0, %get3A_1] : memref<1x256x128xf32, #tpu.memory_space<vmem>>, vector<1x256x128xf32>
    %get3A_3 = vector.shape_cast %get3A_2 : vector<1x256x128xf32> to vector<256x128xf32>
    %get3A_4 = arith.constant 0 : index
    %get3A_5 = arith.constant 0 : index
    %get3A_6 = arith.constant 0 : index
    %get3A_7 = vector.load %arg2[%get3A_4, %get3A_5, %get3A_6] : memref<1x256x128xf32, #tpu.memory_space<vmem>>, vector<1x256x128xf32>
    %get3A_8 = vector.shape_cast %get3A_7 : vector<1x256x128xf32> to vector<256x128xf32>
    %add3A = arith.addf %get3A_3, %get3A_8 : vector<256x128xf32>
    %get3A_9 = arith.constant 0 : index
    %get3A_10 = arith.constant 0 : index
    %get3A_11 = vector.load %arg3[%get3A_9, %get3A_10] : memref<256x128xf32, #tpu.memory_space<vmem>>, vector<256x128xf32>
    %mul3A = arith.mulf %add3A, %get3A_11 : vector<256x128xf32>
    %get3A_12 = arith.constant 0 : index
    %get3A_13 = arith.constant 0 : index
    %get3A_14 = vector.load %arg5[%get3A_12, %get3A_13] : memref<1x128xf32, #tpu.memory_space<vmem>>, vector<1x128xf32>
    %add3A_15 = vector.broadcast %get3A_14 : vector<1x128xf32> to vector<256x128xf32>
    %add3A_16 = arith.addf %mul3A, %add3A_15 : vector<256x128xf32>
    %get3A_17 = arith.constant 0 : index
    %get3A_18 = arith.constant 0 : index
    %get3A_19 = vector.load %arg4[%get3A_17, %get3A_18] : memref<256x128xf32, #tpu.memory_space<vmem>>, vector<256x128xf32>
    %add3A_20 = arith.addf %add3A_16, %get3A_19 : vector<256x128xf32>
    %swap3A = arith.constant 0 : index
    %swap3A_21 = arith.constant 0 : index
    %swap3A_22 = vector.load %arg6[%swap3A, %swap3A_21] : memref<256x128xf32, #tpu.memory_space<vmem>>, vector<256x128xf32>
    tpu.vector_store %arg6[%swap3A, %swap3A_21], %add3A_20 {strides = array<i32>} : memref<256x128xf32, #tpu.memory_space<vmem>>, vector<256x128xf32>,
    return
  }
  func.func @transform_0(%arg0: i32) -> (i32, i32, i32) {
    %c0_i32 = arith.constant 0 : i32
    %c0_i32_0 = arith.constant 0 : i32
    %c0_i32_1 = arith.constant 0 : i32
    return %c0_i32, %arg0, %c0_i32_0 : i32, i32, i32
  }
  func.func @transform_1(%arg0: i32) -> (i32, i32, i32) {
    %c1_i32 = arith.constant 1 : i32
    %c0_i32 = arith.constant 0 : i32
    %c0_i32_0 = arith.constant 0 : i32
    return %c1_i32, %arg0, %c0_i32 : i32, i32, i32
  }
  func.func @transform_2(%arg0: i32) -> (i32, i32) {
    %c0_i32 = arith.constant 0 : i32
    %c0_i32_0 = arith.constant 0 : i32
    return %arg0, %c0_i32 : i32, i32
  }
  func.func @transform_3(%arg0: i32) -> (i32, i32) {
    %c0_i32 = arith.constant 0 : i32
    %c0_i32_0 = arith.constant 0 : i32
    return %arg0, %c0_i32 : i32, i32
  }
  func.func @transform_4(%arg0: i32) -> (i32, i32) {
    %c0_i32 = arith.constant 0 : i32
    %c0_i32_0 = arith.constant 0 : i32
    %c0_i32_1 = arith.constant 0 : i32
    return %c0_i32, %c0_i32_0 : i32, i32
  }
  func.func @transform_5(%arg0: i32) -> (i32, i32) {
    %c0_i32 = arith.constant 0 : i32
    %c0_i32_0 = arith.constant 0 : i32
    return %arg0, %c0_i32 : i32, i32
  }
}

module attributes {stable_mosaic.version = 14 : i64} {
  func.func @_fc_body(%arg0: i32, %arg1: memref<2000x16xf32, #tpu.memory_space<vmem>>, %arg2: memref<237x16xf32, #tpu.memory_space<vmem>>, %arg3: memref<1x237xf32, #tpu.memory_space<vmem>>, %arg4: memref<2000x237xf32, #tpu.memory_space<vmem>>) attributes {dimension_semantics = [#tpu.dimension_semantics<arbitrary>], iteration_bounds = array<i64: 5>, scalar_prefetch = 0 : i64, scratch_operands = 0 : i64, tpu.core_type = #tpu.core_type<tc>, window_params = [{transform_indices = @transform_0, window_bounds = array<i64: 2000, 16>}, {pipeline_mode = #tpu.pipeline_mode<synchronous>, transform_indices = @transform_1, window_bounds = array<i64: 237, 16>}, {pipeline_mode = #tpu.pipeline_mode<synchronous>, transform_indices = @transform_2, window_bounds = array<i64: 1, 237>}, {transform_indices = @transform_3, window_bounds = array<i64: 2000, 237>}]} {
    %get3A = arith.constant 0 : index
    %get3A_0 = arith.constant 0 : index
    %get3A_1 = vector.load %arg1[%get3A, %get3A_0] : memref<2000x16xf32, #tpu.memory_space<vmem>>, vector<2000x16xf32>
    %get3A_2 = arith.constant 0 : index
    %get3A_3 = arith.constant 0 : index
    %get3A_4 = vector.load %arg2[%get3A_2, %get3A_3] : memref<237x16xf32, #tpu.memory_space<vmem>>, vector<237x16xf32>
    %dot_general3A = arith.constant dense<0.000000e+00> : vector<2000x237xf32>
    %dot_general3A_5 = tpu.matmul %get3A_1, %get3A_4, %dot_general3A {dimension_numbers = #tpu.dot_dimension_numbers<[1], [1], [0], [0], [0, 0, 1, 0], [], []>, transpose_lhs_hint = false} : vector<2000x16xf32>, vector<237x16xf32>, vector<2000x237xf32> -> vector<2000x237xf32>
    %get3A_6 = arith.constant 0 : index
    %get3A_7 = arith.constant 0 : index
    %get3A_8 = vector.load %arg3[%get3A_6, %get3A_7] : memref<1x237xf32, #tpu.memory_space<vmem>>, vector<1x237xf32>
    %add3A = vector.broadcast %get3A_8 : vector<1x237xf32> to vector<2000x237xf32>
    %add3A_9 = arith.addf %dot_general3A_5, %add3A : vector<2000x237xf32>
    %swap3A = arith.constant 0 : index
    %swap3A_10 = arith.constant 0 : index
    %swap3A_11 = vector.load %arg4[%swap3A, %swap3A_10] : memref<2000x237xf32, #tpu.memory_space<vmem>>, vector<2000x237xf32>
    tpu.vector_store %arg4[%swap3A, %swap3A_10], %add3A_9 {strides = array<i32>} : memref<2000x237xf32, #tpu.memory_space<vmem>>, vector<2000x237xf32>,
    return
  }
  func.func @transform_0(%arg0: i32) -> (i32, i32) {
    %c0_i32 = arith.constant 0 : i32
    %c0_i32_0 = arith.constant 0 : i32
    return %arg0, %c0_i32 : i32, i32
  }
  func.func @transform_1(%arg0: i32) -> (i32, i32) {
    %c0_i32 = arith.constant 0 : i32
    %c0_i32_0 = arith.constant 0 : i32
    %c0_i32_1 = arith.constant 0 : i32
    return %c0_i32, %c0_i32_0 : i32, i32
  }
  func.func @transform_2(%arg0: i32) -> (i32, i32) {
    %c0_i32 = arith.constant 0 : i32
    %c0_i32_0 = arith.constant 0 : i32
    %c0_i32_1 = arith.constant 0 : i32
    return %c0_i32, %c0_i32_0 : i32, i32
  }
  func.func @transform_3(%arg0: i32) -> (i32, i32) {
    %c0_i32 = arith.constant 0 : i32
    %c0_i32_0 = arith.constant 0 : i32
    return %arg0, %c0_i32 : i32, i32
  }
}

</mosaic_0001>

<sc_bundles>
// kernel: kernel.10.cloned.1.call-start
scs
__scs_entry_jumppad:
0x0: {  	(pc) =	sbr.rel $0x88, $3  }
0x1: {  	(tag) =	ssettag $0x0;
	lr =	simm.s32 $0x1  }
0x2: {  	[smem:$0x3F94] =	sst lr;
	_ =	strace $0xD0000000  }
0x3: {  	_ = 	snop  }
0x4: {  	_ = 	snop  }
0x5: {  	_ = 	snop  }
0x6: {  	_ = 	snop  }
0x7: {  	_ = 	snop  }
__scs_overlays_trampoline_lowered:
0x8: {  	[smem:$0x3FA3] =	sst s0  }
0x9: {  	[smem:$0x3FA4] =	sst s1  }
0xa: {  	[smem:$0x3FA5] =	sst s2  }
0xb: {  	[smem:$0x3FA6] =	sst s3  }
0xc: {  	[smem:$0x3FA7] =	sst s4  }
0xd: {  	[smem:$0x3FA8] =	sst s5  }
0xe: {  	[smem:$0x3FA9] =	sst s6  }
0xf: {  	[smem:$0x3FAA] =	sst s7  }
0x10: {  	[smem:$0x3FAB] =	sst s8  }
0x11: {  	[smem:$0x3FAC] =	sst s9;
	s0 =	simm.s32 @!p0 $0x0  }
0x12: {  	s1 =	sld [smem:$0x3F92];
	s0 =	simm.s32 @p0 $0x1  }
0x13: {  	[smem:$0x3FAD] =	sst s0;
	s0 =	simm.s32 @!p1 $0x0  }
0x14: {  	s2 =	sld [smem:$0x3F91];
	s0 =	simm.s32 @p1 $0x1  }
0x15: {  	[smem:$0x3FAE] =	sst s0;
	s0 =	simm.s32 @!p2 $0x0  }
0x16: {  	s3 =	sld [smem:$0x3FDB];
	s0 =	simm.s32 @p2 $0x1  }
0x17: {  	s4 =	simm.s32 $0x1BF5;
	[smem:$0x3FB0] =	sst s0  }
0x18: {  	s0 =	sld [smem:$0x3F93];
	_ =	swait.ge [sflag:s4], $0x0  }
0x19: {  	s7 =	sld [smem:$0x3F94]  }
0x1a: {  	s8 =	sadd.s32 $0xFFFFE003, lr  }
0x1b: {  	s9 =	sadd.s32 $0xFFFFFEF7, lr;
	s5 =	simm.s32 $0xFFFFFFFF;
	p2 =	slt.u32 s8, $0xFFFFF086  }
0x1c: {  	p1 =	slt.u32 s9, $0xF7A;
	s5 =	simm.s32 @!p2 $0x0  }
0x1d: {  	s5 =	simm.s32 @p1 $0x1;
	p0 =	seq.s32 s7, s2  }
0x1e: {  	s7 =	smul.u32 @!p0 $0xF7A, s2;
	p2 =	seq.s32 @!p0 s5, $0x0  }
0x1f: {  	s9 =	smul.u32 $0xF7A, s1;
	s8 =	simm.s32 @!p0 $0x1BF5;
	p2 =	por !p2, p0  }
0x20: {  	[sflag:s8] =	ssyncset.s32 @!p0 $0xFFFFF086;
	s6 =	sadd.s32 @!p0 s3, s7;
	s7 =	simm.s32 @!p0 $0x108  }
0x21: {  	s3 =	sadd.s32 s3, s9;
	s6 =	sadd.s32 @!p0 $0x88, s6;
	s7 =	simm.s32 @p2 $0x1082  }
0x22: {  	[simem:s7], [sflag:s8] =	dma.local @!p0 [hbm:s6], $0xF7A  }
0x23: {  	s9 =	sor.u32 $0xD0000000, s2;
	s6 =	simm.s32 $0x108;
	_ =	swait.ge @!p0 [sflag:s8], $0x0  }
0x24: {  	s3 =	sadd.s32 $0x88, s3;
	s6 =	simm.s32 @!p1 $0x1082;
	[sflag:s4] =	ssyncset.s32 $0xFFFFF086  }
0x25: {  	[simem:s6], [sflag:s4] =	dma.local [hbm:s3], $0xF7A  }
0x26: {  	[smem:$0x3F94] =	sst s1;
	(tag) =	ssettag s2;
	_ =	strace s9  }
0x27: {  	s1 =	sld [smem:$0x3FA4]  }
0x28: {  	s2 =	sld [smem:$0x3FA5]  }
0x29: {  	s4 =	sld [smem:$0x3FA7]  }
0x2a: {  	p0 =	seq.s32 s5, $0x0;
	s5 =	sld [smem:$0x3FA8]  }
0x2b: {  	s6 =	sld [smem:$0x3FA9]  }
0x2c: {  	s7 =	sld [smem:$0x3FAA]  }
0x2d: {  	s3 =	simm.s32 $0x108;
	s8 =	sld [smem:$0x3FAB]  }
0x2e: {  	s3 =	simm.s32 @!p0 $0x1082;
	s9 =	sld [smem:$0x3FAC]  }
0x2f: {  	lr =	sadd.s32 s0, s3;
	s0 =	sld [smem:$0x3FA3]  }
0x30: {  	s3 =	sld [smem:$0x3FA6]  }
0x31: {  	[smem:$0x3FAF] =	sst s10  }
0x32: {  	s10 =	sld [smem:$0x3FAD];
	_ =	sdelay $0x3  }
0x33: {  	p0 =	seq.s32 s10, $0x1;
	s10 =	sld [smem:$0x3FAF];
	_ =	sdelay $0x3  }
0x34: {  	[smem:$0x3FAF] =	sst s10  }
0x35: {  	s10 =	sld [smem:$0x3FAE];
	_ =	sdelay $0x3  }
0x36: {  	p1 =	seq.s32 s10, $0x1;
	s10 =	sld [smem:$0x3FAF];
	_ =	sdelay $0x3  }
0x37: {  	[smem:$0x3FAF] =	sst s10  }
0x38: {  	s10 =	sld [smem:$0x3FB0]  }
0x39: {  	_ = 	snop;
	(pc) =	sbr.ind lr, $3  }
0x3a: {  	_ = 	snop  }
0x3b: {  	_ = 	snop  }
0x3c: {  	p2 =	seq.s32 s10, $0x1;
	s10 =	sld [smem:$0x3FAF]  }
0x3d: {  	_ =	shalt  }
0x3e: {  	_ =	shalt  }
0x3f: {  	_ =	shalt  }
0x40: {  	_ =	shalt  }
0x41: {  	_ =	shalt  }
0x42: {  	_ =	shalt  }
0x43: {  	_ =	shalt  }
0x44: {  	_ =	shalt  }
0x45: {  	_ =	shalt  }
0x46: {  	_ =	shalt  }
0x47: {  	_ =	shalt  }
0x48: {  	_ =	shalt  }
0x49: {  	_ =	shalt  }
0x4a: {  	_ =	shalt  }
0x4b: {  	_ =	shalt  }
0x4c: {  	_ =	shalt  }
0x4d: {  	_ =	shalt  }
0x4e: {  	_ =	shalt  }
0x4f: {  	_ =	shalt  }
0x50: {  	_ =	shalt  }
0x51: {  	_ =	shalt  }
0x52: {  	_ =	shalt  }
0x53: {  	_ =	shalt  }
0x54: {  	_ =	shalt  }
0x55: {  	_ =	shalt  }
0x56: {  	_ =	shalt  }
0x57: {  	_ =	shalt  }
0x58: {  	_ =	shalt  }
0x59: {  	_ =	shalt  }
0x5a: {  	_ =	shalt  }
0x5b: {  	_ =	shalt  }
0x5c: {  	_ =	shalt  }
0x5d: {  	_ =	shalt  }
0x5e: {  	_ =	shalt  }
0x5f: {  	_ =	shalt  }
0x60: {  	_ =	shalt  }
0x61: {  	_ =	shalt  }
0x62: {  	_ =	shalt  }
0x63: {  	_ =	shalt  }
0x64: {  	_ =	shalt  }
0x65: {  	_ =	shalt  }
0x66: {  	_ =	shalt  }
0x67: {  	_ =	shalt  }
0x68: {  	_ =	shalt  }
0x69: {  	_ =	shalt  }
0x6a: {  	_ =	shalt  }
0x6b: {  	_ =	shalt  }
0x6c: {  	_ =	shalt  }
0x6d: {  	_ =	shalt  }
0x6e: {  	_ =	shalt  }
0x6f: {  	_ =	shalt  }
0x70: {  	_ =	shalt  }
0x71: {  	_ =	shalt  }
0x72: {  	_ =	shalt  }
0x73: {  	_ =	shalt  }
0x74: {  	_ =	shalt  }
0x75: {  	_ =	shalt  }
0x76: {  	_ =	shalt  }
0x77: {  	_ =	shalt  }
0x78: {  	_ =	shalt  }
0x79: {  	_ =	shalt  }
0x7a: {  	_ =	shalt  }
0x7b: {  	_ =	shalt  }
0x7c: {  	_ =	shalt  }
0x7d: {  	_ =	shalt  }
0x7e: {  	_ =	shalt  }
0x7f: {  	_ =	shalt  }
0x80: {  	_ =	shalt  }
0x81: {  	_ =	shalt  }
0x82: {  	_ =	shalt  }
0x83: {  	_ =	shalt  }
0x84: {  	_ =	shalt  }
0x85: {  	_ =	shalt  }
0x86: {  	_ =	shalt  }
0x87: {  	_ =	shalt  }
.Lfunc_end0:
.L_simem_size_0:
called_computation_lowered:
.L_overlay_start_0:
0x88: {  	s2 =	sld [smem:$0x3FD9]  }
0x89: {  	s3 =	sld [smem:$0x3FFE];
	_ =	sdelay $0x1  }
0x8a: {  	s1 =	srdreg.scid  }
0x8b: {  	s0 =	sand.u32 $0x1, s1  }
0x8c: {  	s17 =	sshll.u32 s0, $0xA;
	s2 =	sadd.s32 s3, s2  }
0x8d: {  	s2 =	sadd.s32 s2, s17  }
0x8e: {  	[smem:$0x3FBB] =	sst s2  }
0x8f: {  	_ = 	snop  }
0x90: {  	s2 =	sld [smem:$0x3FD0];
	(tm) =	ssettm $0x1  }
0x91: {  	s18 =	sld [smem:$0x3FFB];
	_ =	sdelay $0x3  }
0x92: {  	_ =	strace s18  }
0x93: {  	s3 =	sld [smem:$0x3FFC];
	_ =	sdelay $0x3  }
0x94: {  	_ =	strace s3  }
0x95: {  	s3 =	sld [smem:$0x3FFD];
	_ =	sdelay $0x3  }
0x96: {  	_ =	strace s3  }
0x97: {  	_ =	strace $0x8FFFFFFF  }
0x98: {  	s19 =	sld [smem:$0x3FDB];
	_ =	sdelay $0x1  }
0x99: {  	s4 =	simm.s32 $_scs_section_size  }
0x9a: {  	s5 =	simm.s32 $_size__tile_overlayer_lowered;
	s6 =	simm.s32 $_tile_overlayer_lowered  }
0x9b: {  	s22 =	simm.s32 $0x1BFF;
	s21 =	sshll.u32 s6, $0x1;
	s3 =	sadd.s32 s4, s19  }
0x9c: {  	s7 =	simm.s32 $0x0;
	s20 =	sshll.u32 s5, $0x1;
	s5 =	sadd.s32 s21, s3  }
0x9d: {  	[timem:s7], [sflag:s22] =	dma.local [hbm:s5], s20  }
0x9e: {  	_ =	swait.ge [sflag:s22], s20  }
0x9f: {  	s4 =	ssub.s32 $0x0, s20;
	[sflag:s22] =	ssyncset.done $0x0  }
0xa0: {  	[sflag:s22] =	ssyncadd.s32 s4;
	_ =	sdelay $0x1  }
0xa1: {  	s23 =	simm.s32 $0x1B8B  }
0xa2: {  	_ =	swait.ge [sflag:s23], $0x1  }
0xa3: {  	[sflag:s23] =	ssyncset.done $0x0  }
0xa4: {  	s25 =	simm.s32 $0x1B8E;
	s24 =	sld [smem:$0x3FFE];
	[sflag:s23] =	ssyncadd.s32 $0xFFFFFFFF  }
0xa5: {  	s26 =	simm.s32 $execute0_lowered;
	[smem:$0x3FD2] =	sst s25  }
0xa6: {  	s5 =	sshll.u32 s26, $0x1;
	_ =	strace $0x80000046;
	[dreg:$0x1] =	wrdreg $0xFFFFFFFF  }
0xa7: {  	s28 =	simm.s32 $_size_execute0_lowered;
	s3 =	sadd.s32 s3, s5;
	[dreg:$0x0] =	wrdreg $0x0  }
0xa8: {  	s5 =	sshll.u32 s28, $0x1;
	[dreg:$0x2] =	wrdreg s3  }
0xa9: {  	[dreg:$0x3] =	wrdreg s5  }
0xaa: {  	[dreg:$0x4] =	wrdreg $0xC0  }
0xab: {  	_ =	task [dreg:s7], $0x5FFFF  }
0xac: {  	[dreg:$0x1] =	wrdreg $0xFFFFFFFF  }
0xad: {  	[dreg:$0x0] =	wrdreg $0x60  }
0xae: {  	[dreg:$0x2] =	wrdreg s24  }
0xaf: {  	[dreg:$0x3] =	wrdreg s2  }
0xb0: {  	[dreg:$0x4] =	wrdreg $0x94000  }
0xb1: {  	[dreg:$0x5] =	wrdreg $0xBC000  }
0xb2: {  	[dreg:$0x6] =	wrdreg $0xE4000  }
0xb3: {  	[dreg:$0x7] =	wrdreg $0x9  }
0xb4: {  	_ =	task.clear_ibuf [dreg:s7], $0x8FFFF;
	_ =	strace $0x90000046  }
0xb5: {  	s29 =	simm.s32 $0x9;
	_ =	strace $0x80000048  }
0xb6: {  	_ =	swait.ge [sflag:s29], $0x1  }
0xb7: {  	[sflag:s29] =	ssyncadd.s32 $0xFFFFFFFF  }
0xb8: {  	_ =	strace $0x90000048  }
0xb9: {  	_ =	sfence  }
0xba: {  	s30 =	sld [smem:$0x0];
	_ =	sdelay $0x2  }
0xbb: {  	s31 =	sshll.u32 s1, $0xD;
	s1 =	sshrl.u32 s1, $0x2  }
0xbc: {  	s3 =	sand.u32 $0x4000, s31;
	s1 =	sadd.s32 s1, s30  }
0xbd: {  	s0 =	sor.u32 s3, s0;
	s1 =	sshll.u32 s1, $0x11  }
0xbe: {  	s0 =	sor.u32 s1, s0  }
0xbf: {  	s0 =	sadd.s32 $0x8F2B, s0  }
0xc0: {  	[sflag:s0] =	ssyncadd.remote.s32 $0x1  }
0xc1: {  	_ =	sfence.sel $0xFFFF  }
0xc2: {  	[dreg:$0x0] =	wrdreg $0xFFFFFFFF;
	(pc) =	sbr.abs _section_cstart, $3  }
0xc3: {  	[dreg:$0x1] =	wrdreg $0xFFFFFFFF  }
0xc4: {  	_ =	task.clear_ibuf [dreg:s7], $0x2FFFF;
	_ =	strace $0x9FFFFFFF  }
0xc5: {  	(tm) =	ssettm $0x7FFFFFFF  }
tec
execute0_lowered:
.L_overlay_start_1:
0x0: {  	(tag) =	ssettag $0x1  }
0x1: {  	s0 =	rddreg [dreg:$0x0]  }
0x2: {  	s1 =	rddreg [dreg:$0x1]  }
0x3: {  	s2 =	rddreg [dreg:$0x2]  }
0x4: {  	s3 =	rddreg [dreg:$0x3]  }
0x5: {  	s14 =	stileid.u32;
	s4 =	rddreg [dreg:$0x4]  }
0x6: {  	s5 =	simm.s32 $0x0;
	s7 =	srdreg.scid;
	s28 =	simm.s32 $0x800  }
0x7: {  	s29 =	simm.s32 $0x9000;
	s30 =	simm.s32 $0x400;
	s31 =	simm.s32 $0x1000  }
0x8: {  	s6 =	smul.u32 $0x2800, s14;
	[smem:$0x7FF] =	sst s5;
	s7 =	sand.u32 $0x1, s7  }
0x9: {  	s10 =	sadd.s32 $0x3400, s0;
	s11 =	sadd.s32 $0x12800, s0;
	s12 =	sadd.s32 $0x12600, s0  }
0xa: {  	_ =	strace $0x80000047;
	s9 =	smul.u32 $0x28000, s7;
	[dreg:$0x6] =	wrdreg s11  }
0xb: {  	s15 =	sadd.s32 $0x12400, s0;
	s11 =	smul.u32 $0x280, s14;
	[dreg:$0x7] =	wrdreg s12  }
0xc: {  	s26 =	smul.u32 $0x2800, s7;
	s13 =	sshll.u32 s7, $0x4;
	[dreg:$0x8] =	wrdreg s15  }
0xd: {  	s7 =	ssub.s32 $0x2, s7;
	s8 =	sshrl.u32 s6, $0x3;
	s13 =	sor.u32 s14, s13  }
0xe: {  	s16 =	sshrl.u32 s7, $0x1;
	s8 =	sadd.s32 s8, s0;
	s9 =	sadd.s32 s6, s9  }
0xf: {  	s12 =	sadd.s32 s11, s26;
	s13 =	smul.u32 $0x2800, s13;
	s7 =	ssub.s32 s7, s16  }
0x10: {  	s26 =	sadd.s32 s6, s2;
	s15 =	sshrl.u32 s9, $0x3;
	s12 =	sshrl.u32 s12, $0x3  }
0x11: {  	s24 =	sadd.s32 $0x1000, s9;
	s9 =	sadd.s32 $0xC00, s9;
	s22 =	sadd.s32 s15, s0  }
0x12: {  	s0 =	sadd.s32 s12, s0;
	s17 =	sor.u32 $0x400, s13;
	s18 =	sshrl.u32 s13, $0x3  }
0x13: {  	s16 =	sshrl.u32 s24, $0x3;
	s9 =	sshrl.u32 s9, $0x3;
	s24 =	smax.u32 s7, $0x1  }
0x14: {  	s7 =	simm.s32 $0x2;
	s19 =	sshrl.u32 s17, $0x3;
	s20 =	sadd.s32 s1, s18  }
0x15: {  	s21 =	sadd.s32 s10, s18;
	s12 =	sadd.s32 $0x100, s18;
	s15 =	sadd.s32 s16, s10  }
0x16: {  	s16 =	sadd.s32 s16, s1;
	s17 =	sadd.s32 s9, s10;
	[dreg:$0x9] =	wrdreg s20  }
0x17: {  	s18 =	sadd.s32 s9, s1;
	s22 =	sadd.s32 $0x13800, s22;
	[dreg:$0xa] =	wrdreg s21  }
0x18: {  	s23 =	sadd.s32 s1, s19;
	s13 =	sadd.s32 s10, s19;
	s25 =	sadd.s32 s1, s12  }
.Ltmp0:
0x19: {  	s14 =	sadd.s32 s10, s12;
	s19 =	sadd.s32 $0xD400, s8;
	(pc) =	sbr.rel .LBB2_1-.Ltmp0, $4  }
0x1a: {  	s20 =	sadd.s32 s6, s3;
	s21 =	sadd.s32 s11, s4;
	[dreg:$0xb] =	wrdreg s23  }
0x1b: {  	s1 =	simm.s32 $0x1;
	s6 =	simm.s32 $0x5000;
	[dreg:$0xc] =	wrdreg s13  }
0x1c: {  	s8 =	simm.s32 $0x0;
	[dreg:$0xd] =	wrdreg s25;
	s23 =	sadd.s32 $0x12E00, s0  }
0x1d: {  	s25 =	sshrl.u32 s26, $0x3;
	s26 =	simm.s32 $0x3;
	s0 =	simm.s32 $0xC00  }
.LBB2_4:
0x1e: {  	[spmem:s3] =	stream.indirect.scatter.add.f32 [tilespmem:s6], [sflag:$0x2], $0x10, s0, s30, $0xb8;
	[tilespmem:$0xE680] =	vst v63  }
0x1f: {  	_ = 	snop  }
0x20: {  	[spmem:s4] =	stream.indirect.scatter.add.f32 [tilespmem:s29], [sflag:$0x2], $0x1, s0, s30, $0xb8;
	[tilespmem:$0xE680] =	vst v63  }
0x21: {  	_ =	swait.ge [sflag:s7], $0x4000  }
0x22: {  	[sflag:s7] =	ssyncset.done $0x0  }
0x23: {  	[sflag:s7] =	ssyncadd.s32 $0xFFFFC000  }
0x24: {  	_ =	swait.ge [sflag:s7], $0x400  }
0x25: {  	[sflag:s7] =	ssyncset.done $0x0  }
0x26: {  	[sflag:s7] =	ssyncadd.s32 $0xFFFFFC00  }
0x27: {  	[bflag:$0x0] =	sbarrier.arrive $0xFFFF  }
0x28: {  	[hbm:s22], [sflag:s9] =	dma.local [spmem:s10], $0x500  }
0x29: {  	s8 =	sadd.s32 $0x1, s8;
	_ =	swait.ge [sflag:s26], $0x500  }
0x2a: {  	p0 =	sne.s32 s8, s24;
	[sflag:s26] =	ssyncset.done $0x0  }
.Ltmp1:
0x2b: {  	[sflag:s26] =	ssyncadd.s32 $0xFFFFFB00;
	(pc) =	sbr.rel @!p0 .LBB2_5-.Ltmp1, $4  }
0x2c: {  	[hbm:s23], [sflag:s9] =	dma.local [spmem:s11], $0x50  }
0x2d: {  	_ =	swait.ge [sflag:s26], $0x50  }
0x2e: {  	[sflag:s26] =	ssyncset.done $0x0  }
0x2f: {  	[sflag:s26] =	ssyncadd.s32 $0xFFFFFFB0  }
.LBB2_1:
0x30: {  	s9 =	rddreg [dreg:$0x9]  }
0x31: {  	[tilespmem:s5], [sflag:$0x3] =	stream.linear.gather [hbm4b:s9+s5], $0x400, $0x38;
	[tilespmem:$0xE680] =	vst v63  }
0x32: {  	_ =	swait.ge [sflag:s26], $0x400  }
0x33: {  	[sflag:s26] =	ssyncset.done $0x0  }
0x34: {  	s10 =	rddreg [dreg:$0xa];
	[sflag:s26] =	ssyncadd.s32 $0xFFFFFC00  }
0x35: {  	[tilespmem:s28], [sflag:$0x3] =	stream.linear.gather [hbm4b:s10+s5], $0x400, $0x38;
	[tilespmem:$0xE680] =	vst v63  }
0x36: {  	_ =	swait.ge [sflag:s26], $0x400  }
0x37: {  	[sflag:s26] =	ssyncset.done $0x0  }
0x38: {  	s11 =	rddreg [dreg:$0x8];
	[sflag:s26] =	ssyncadd.s32 $0xFFFFFC00  }
0x39: {  	[tilespmem:s29], [sflag:$0x3] =	stream.linear.gather [hbm4b:s11+s5], $0x400, $0x38;
	[tilespmem:$0xE680] =	vst v63  }
0x3a: {  	s12 =	stileid.u32;
	_ =	swait.ge [sflag:s26], $0x400  }
0x3b: {  	s9 =	sshll.u32 s12, $0x6;
	[sflag:s26] =	ssyncset.done $0x0  }
0x3c: {  	s9 =	sor.u32 $0x1C03, s9;
	[sflag:s26] =	ssyncadd.s32 $0xFFFFFC00  }
0x3d: {  	[spmem:s25], [sflag:s9] =	dma.local [hbm:s19], $0x500  }
0x3e: {  	_ =	swait.ge [sflag:s26], $0x500  }
0x3f: {  	[sflag:s26] =	ssyncset.done $0x0  }
0x40: {  	s10 =	sshrl.u32 s20, $0x3;
	s11 =	rddreg [dreg:$0x6];
	[sflag:s26] =	ssyncadd.s32 $0xFFFFFB00  }
0x41: {  	[spmem:s10], [sflag:s9] =	dma.local [hbm:s11], $0x500  }
0x42: {  	_ =	swait.ge [sflag:s26], $0x500  }
0x43: {  	[sflag:s26] =	ssyncset.done $0x0  }
0x44: {  	s11 =	sshrl.u32 s21, $0x3;
	s12 =	rddreg [dreg:$0x7];
	[sflag:s26] =	ssyncadd.s32 $0xFFFFFB00  }
0x45: {  	[spmem:s11], [sflag:s9] =	dma.local [hbm:s12], $0x50  }
0x46: {  	_ =	swait.ge [sflag:s26], $0x50  }
0x47: {  	[sflag:s26] =	ssyncset.done $0x0  }
0x48: {  	[sflag:s26] =	ssyncadd.s32 $0xFFFFFFB0  }
0x49: {  	[bflag:$0x0] =	sbarrier.arrive $0xFFFF  }
0x4a: {  	[tilespmem:s31], [sflag:$0x1] =	stream.indirect.gather [spmem:s2], $0x10, s5, s30, $0xb8;
	[tilespmem:$0xE680] =	vst v63  }
0x4b: {  	_ =	swait.ge [sflag:s1], $0x4000  }
0x4c: {  	[sflag:s1] =	ssyncset.done $0x0  }
0x4d: {  	s13 =	rddreg [dreg:$0xb];
	[sflag:s1] =	ssyncadd.s32 $0xFFFFC000  }
0x4e: {  	[tilespmem:s30], [sflag:$0x3] =	stream.linear.gather [hbm4b:s13+s5], $0x400, $0x38;
	[tilespmem:$0xE680] =	vst v63  }
0x4f: {  	_ =	swait.ge [sflag:s26], $0x400  }
0x50: {  	[sflag:s26] =	ssyncset.done $0x0  }
0x51: {  	s13 =	rddreg [dreg:$0xc];
	[sflag:s26] =	ssyncadd.s32 $0xFFFFFC00  }
0x52: {  	[tilespmem:s0], [sflag:$0x3] =	stream.linear.gather [hbm4b:s13+s5], $0x400, $0x38;
	[tilespmem:$0xE680] =	vst v63  }
0x53: {  	_ =	swait.ge [sflag:s26], $0x400  }
0x54: {  	[sflag:s26] =	ssyncset.done $0x0  }
0x55: {  	[sflag:s26] =	ssyncadd.s32 $0xFFFFFC00  }
0x56: {  	[tilespmem:s6], [sflag:$0x1] =	stream.indirect.gather [spmem:s2], $0x10, s30, s30, $0xb8;
	[tilespmem:$0xE680] =	vst v63  }
0x57: {  	_ = 	snop  }
0x58: {  	[spmem:s3] =	stream.indirect.scatter.add.f32 [tilespmem:s31], [sflag:$0x2], $0x10, s28, s30, $0xb8;
	[tilespmem:$0xE680] =	vst v63  }
0x59: {  	_ = 	snop  }
0x5a: {  	[spmem:s4] =	stream.indirect.scatter.add.f32 [tilespmem:s29], [sflag:$0x2], $0x1, s28, s30, $0xb8;
	[tilespmem:$0xE680] =	vst v63  }
0x5b: {  	_ =	swait.ge [sflag:s1], $0x4000  }
0x5c: {  	[sflag:s1] =	ssyncset.done $0x0  }
0x5d: {  	[sflag:s1] =	ssyncadd.s32 $0xFFFFC000  }
0x5e: {  	_ =	swait.ge [sflag:s7], $0x4000  }
0x5f: {  	[sflag:s7] =	ssyncset.done $0x0  }
0x60: {  	[sflag:s7] =	ssyncadd.s32 $0xFFFFC000  }
0x61: {  	_ =	swait.ge [sflag:s7], $0x400  }
0x62: {  	[sflag:s7] =	ssyncset.done $0x0  }
0x63: {  	s13 =	rddreg [dreg:$0xd];
	[sflag:s7] =	ssyncadd.s32 $0xFFFFFC00  }
0x64: {  	[tilespmem:s5], [sflag:$0x3] =	stream.linear.gather [hbm4b:s13+s5], $0x400, $0x38;
	[tilespmem:$0xE680] =	vst v63  }
0x65: {  	_ =	swait.ge [sflag:s26], $0x400  }
0x66: {  	[sflag:s26] =	ssyncset.done $0x0  }
0x67: {  	[sflag:s26] =	ssyncadd.s32 $0xFFFFFC00  }
0x68: {  	[tilespmem:s28], [sflag:$0x3] =	stream.linear.gather [hbm4b:s14+s5], $0x400, $0x38;
	[tilespmem:$0xE680] =	vst v63  }
0x69: {  	_ =	swait.ge [sflag:s26], $0x400  }
0x6a: {  	[sflag:s26] =	ssyncset.done $0x0  }
0x6b: {  	[sflag:s26] =	ssyncadd.s32 $0xFFFFFC00  }
0x6c: {  	[tilespmem:s31], [sflag:$0x1] =	stream.indirect.gather [spmem:s2], $0x10, s5, s30, $0xb8;
	[tilespmem:$0xE680] =	vst v63  }
0x6d: {  	_ = 	snop  }
0x6e: {  	[spmem:s3] =	stream.indirect.scatter.add.f32 [tilespmem:s6], [sflag:$0x2], $0x10, s0, s30, $0xb8;
	[tilespmem:$0xE680] =	vst v63  }
0x6f: {  	s12 =	simm.s32 $0x0  }
0x70: {  	[spmem:s4] =	stream.indirect.scatter.add.f32 [tilespmem:s29], [sflag:$0x2], $0x1, s0, s30, $0xb8;
	[tilespmem:$0xE680] =	vst v63  }
.LBB2_2:
0x71: {  	_ =	swait.ge [sflag:s1], $0x4000  }
0x72: {  	[sflag:s1] =	ssyncset.done $0x0  }
0x73: {  	[sflag:s1] =	ssyncadd.s32 $0xFFFFC000  }
0x74: {  	_ =	swait.ge [sflag:s7], $0x4000  }
0x75: {  	[sflag:s7] =	ssyncset.done $0x0  }
0x76: {  	[sflag:s7] =	ssyncadd.s32 $0xFFFFC000  }
0x77: {  	_ =	swait.ge [sflag:s7], $0x400  }
0x78: {  	[sflag:s7] =	ssyncset.done $0x0  }
0x79: {  	s13 =	sadd.s32 s12, s18;
	[sflag:s7] =	ssyncadd.s32 $0xFFFFFC00  }
0x7a: {  	[tilespmem:s30], [sflag:$0x3] =	stream.linear.gather [hbm4b:s13+s5], $0x400, $0x38;
	[tilespmem:$0xE680] =	vst v63  }
0x7b: {  	_ =	swait.ge [sflag:s26], $0x400  }
0x7c: {  	[sflag:s26] =	ssyncset.done $0x0  }
0x7d: {  	s13 =	sadd.s32 s12, s17;
	[sflag:s26] =	ssyncadd.s32 $0xFFFFFC00  }
0x7e: {  	[tilespmem:s0], [sflag:$0x3] =	stream.linear.gather [hbm4b:s13+s5], $0x400, $0x38;
	[tilespmem:$0xE680] =	vst v63  }
0x7f: {  	_ =	swait.ge [sflag:s26], $0x400  }
0x80: {  	[sflag:s26] =	ssyncset.done $0x0  }
0x81: {  	[sflag:s26] =	ssyncadd.s32 $0xFFFFFC00  }
0x82: {  	[tilespmem:s6], [sflag:$0x1] =	stream.indirect.gather [spmem:s2], $0x10, s30, s30, $0xb8;
	[tilespmem:$0xE680] =	vst v63  }
0x83: {  	_ = 	snop  }
0x84: {  	[spmem:s3] =	stream.indirect.scatter.add.f32 [tilespmem:s31], [sflag:$0x2], $0x10, s28, s30, $0xb8;
	[tilespmem:$0xE680] =	vst v63  }
0x85: {  	_ = 	snop  }
0x86: {  	[spmem:s4] =	stream.indirect.scatter.add.f32 [tilespmem:s29], [sflag:$0x2], $0x1, s28, s30, $0xb8;
	[tilespmem:$0xE680] =	vst v63  }
0x87: {  	_ =	swait.ge [sflag:s1], $0x4000  }
0x88: {  	[sflag:s1] =	ssyncset.done $0x0  }
0x89: {  	[sflag:s1] =	ssyncadd.s32 $0xFFFFC000  }
0x8a: {  	p0 =	seq.s32 s12, $0x300;
	_ =	swait.ge [sflag:s7], $0x4000  }
.Ltmp2:
0x8b: {  	[sflag:s7] =	ssyncset.done $0x0;
	(pc) =	sbr.rel @p0 .LBB2_4-.Ltmp2, $4  }
0x8c: {  	[sflag:s7] =	ssyncadd.s32 $0xFFFFC000  }
0x8d: {  	_ =	swait.ge [sflag:s7], $0x400  }
0x8e: {  	[sflag:s7] =	ssyncset.done $0x0  }
0x8f: {  	[sflag:s7] =	ssyncadd.s32 $0xFFFFFC00  }
0x90: {  	s13 =	sadd.s32 s12, s16  }
0x91: {  	[tilespmem:s5], [sflag:$0x3] =	stream.linear.gather [hbm4b:s13+s5], $0x400, $0x38;
	[tilespmem:$0xE680] =	vst v63  }
0x92: {  	_ =	swait.ge [sflag:s26], $0x400  }
0x93: {  	[sflag:s26] =	ssyncset.done $0x0  }
0x94: {  	s13 =	sadd.s32 s12, s15;
	[sflag:s26] =	ssyncadd.s32 $0xFFFFFC00  }
0x95: {  	[tilespmem:s28], [sflag:$0x3] =	stream.linear.gather [hbm4b:s13+s5], $0x400, $0x38;
	[tilespmem:$0xE680] =	vst v63  }
0x96: {  	_ =	swait.ge [sflag:s26], $0x400  }
0x97: {  	[sflag:s26] =	ssyncset.done $0x0  }
0x98: {  	[sflag:s26] =	ssyncadd.s32 $0xFFFFFC00  }
0x99: {  	[tilespmem:s31], [sflag:$0x1] =	stream.indirect.gather [spmem:s2], $0x10, s5, s30, $0xb8;
	[tilespmem:$0xE680] =	vst v63  }
.Ltmp3:
0x9a: {  	_ = 	snop;
	(pc) =	sbr.rel .LBB2_2-.Ltmp3, $4  }
0x9b: {  	_ = 	snop  }
0x9c: {  	[spmem:s3] =	stream.indirect.scatter.add.f32 [tilespmem:s6], [sflag:$0x2], $0x10, s0, s30, $0xb8;
	[tilespmem:$0xE680] =	vst v63  }
0x9d: {  	s12 =	sadd.s32 $0x100, s12  }
0x9e: {  	[spmem:s4] =	stream.indirect.scatter.add.f32 [tilespmem:s29], [sflag:$0x2], $0x1, s0, s30, $0xb8;
	[tilespmem:$0xE680] =	vst v63  }
.LBB2_5:
0x9f: {  	_ =	sfence.sel $0x180000  }
0xa0: {  	[bflag:$0x0] =	sbarrier.arrive $0xFFFF  }
0xa1: {  	_ =	strace $0x90000047  }
0xa2: {  	s0 =	stileid.u32;
	[bflag:$0x2] =	sbarrier.arrive $0xFFFF  }
0xa3: {  	p0 =	sne.s32 s0, $0x0;
	s0 =	rddreg [dreg:$0x5]  }
0xa4: {  	s0 =	sadd.s32 @!p0 $0x100000, s0  }
0xa5: {  	[sflag:s0] =	ssyncadd.tile.s32 @!p0 $0x1;
	_ =	shalt  }
.Lfunc_end2:
_tile_overlayer_lowered:
.L_overlay_start_2:
0xa6: {  	(tag) =	ssettag $0x2  }
0xa7: {  	s0 =	rddreg [dreg:$0x0];
	s2 =	stileid.u32  }
0xa8: {  	s1 =	rddreg [dreg:$0x1];
	p0 =	sne.s32 s2, $0x0  }
0xa9: {  	s3 =	rddreg [dreg:$0x2];
	[bflag:$0x3] =	sbarrier.arrive $0xFFFF;
	s2 =	simm.s32 @!p0 $0x1C03  }
0xaa: {  	[timem:s3], [sflag:s2] =	dma.local @!p0 [hbm:s0], s1  }
0xab: {  	s0 =	simm.s32 @!p0 $0x3  }
0xac: {  	_ =	swait.ge @!p0 [sflag:s0], s1  }
0xad: {  	s1 =	ssub.s32 @!p0 $0x0, s1;
	[sflag:s0] =	ssyncset.done @!p0 $0x0  }
0xae: {  	[sflag:s0] =	ssyncadd.s32 @!p0 s1  }
0xaf: {  	[bflag:$0x3] =	sbarrier.arrive $0xFFFF  }
0xb0: {  	_ =	shalt  }

// kernel: kernel.13.cloned.1.call-start
scs
__scs_entry_jumppad:
0x0: {  	(pc) =	sbr.rel $0x88, $3  }
0x1: {  	(tag) =	ssettag $0x0;
	lr =	simm.s32 $0x1  }
0x2: {  	[smem:$0x3F94] =	sst lr;
	_ =	strace $0xD0000000  }
0x3: {  	_ = 	snop  }
0x4: {  	_ = 	snop  }
0x5: {  	_ = 	snop  }
0x6: {  	_ = 	snop  }
0x7: {  	_ = 	snop  }
__scs_overlays_trampoline_lowered:
0x8: {  	[smem:$0x3FA3] =	sst s0  }
0x9: {  	[smem:$0x3FA4] =	sst s1  }
0xa: {  	[smem:$0x3FA5] =	sst s2  }
0xb: {  	[smem:$0x3FA6] =	sst s3  }
0xc: {  	[smem:$0x3FA7] =	sst s4  }
0xd: {  	[smem:$0x3FA8] =	sst s5  }
0xe: {  	[smem:$0x3FA9] =	sst s6  }
0xf: {  	[smem:$0x3FAA] =	sst s7  }
0x10: {  	[smem:$0x3FAB] =	sst s8  }
0x11: {  	[smem:$0x3FAC] =	sst s9;
	s0 =	simm.s32 @!p0 $0x0  }
0x12: {  	s1 =	sld [smem:$0x3F92];
	s0 =	simm.s32 @p0 $0x1  }
0x13: {  	[smem:$0x3FAD] =	sst s0;
	s0 =	simm.s32 @!p1 $0x0  }
0x14: {  	s2 =	sld [smem:$0x3F91];
	s0 =	simm.s32 @p1 $0x1  }
0x15: {  	[smem:$0x3FAE] =	sst s0;
	s0 =	simm.s32 @!p2 $0x0  }
0x16: {  	s3 =	sld [smem:$0x3FDB];
	s0 =	simm.s32 @p2 $0x1  }
0x17: {  	s4 =	simm.s32 $0x1BF5;
	[smem:$0x3FB0] =	sst s0  }
0x18: {  	s0 =	sld [smem:$0x3F93];
	_ =	swait.ge [sflag:s4], $0x0  }
0x19: {  	s7 =	sld [smem:$0x3F94]  }
0x1a: {  	s8 =	sadd.s32 $0xFFFFE003, lr  }
0x1b: {  	s9 =	sadd.s32 $0xFFFFFEF7, lr;
	s5 =	simm.s32 $0xFFFFFFFF;
	p2 =	slt.u32 s8, $0xFFFFF086  }
0x1c: {  	p1 =	slt.u32 s9, $0xF7A;
	s5 =	simm.s32 @!p2 $0x0  }
0x1d: {  	s5 =	simm.s32 @p1 $0x1;
	p0 =	seq.s32 s7, s2  }
0x1e: {  	s7 =	smul.u32 @!p0 $0xF7A, s2;
	p2 =	seq.s32 @!p0 s5, $0x0  }
0x1f: {  	s9 =	smul.u32 $0xF7A, s1;
	s8 =	simm.s32 @!p0 $0x1BF5;
	p2 =	por !p2, p0  }
0x20: {  	[sflag:s8] =	ssyncset.s32 @!p0 $0xFFFFF086;
	s6 =	sadd.s32 @!p0 s3, s7;
	s7 =	simm.s32 @!p0 $0x108  }
0x21: {  	s3 =	sadd.s32 s3, s9;
	s6 =	sadd.s32 @!p0 $0x88, s6;
	s7 =	simm.s32 @p2 $0x1082  }
0x22: {  	[simem:s7], [sflag:s8] =	dma.local @!p0 [hbm:s6], $0xF7A  }
0x23: {  	s9 =	sor.u32 $0xD0000000, s2;
	s6 =	simm.s32 $0x108;
	_ =	swait.ge @!p0 [sflag:s8], $0x0  }
0x24: {  	s3 =	sadd.s32 $0x88, s3;
	s6 =	simm.s32 @!p1 $0x1082;
	[sflag:s4] =	ssyncset.s32 $0xFFFFF086  }
0x25: {  	[simem:s6], [sflag:s4] =	dma.local [hbm:s3], $0xF7A  }
0x26: {  	[smem:$0x3F94] =	sst s1;
	(tag) =	ssettag s2;
	_ =	strace s9  }
0x27: {  	s1 =	sld [smem:$0x3FA4]  }
0x28: {  	s2 =	sld [smem:$0x3FA5]  }
0x29: {  	s4 =	sld [smem:$0x3FA7]  }
0x2a: {  	p0 =	seq.s32 s5, $0x0;
	s5 =	sld [smem:$0x3FA8]  }
0x2b: {  	s6 =	sld [smem:$0x3FA9]  }
0x2c: {  	s7 =	sld [smem:$0x3FAA]  }
0x2d: {  	s3 =	simm.s32 $0x108;
	s8 =	sld [smem:$0x3FAB]  }
0x2e: {  	s3 =	simm.s32 @!p0 $0x1082;
	s9 =	sld [smem:$0x3FAC]  }
0x2f: {  	lr =	sadd.s32 s0, s3;
	s0 =	sld [smem:$0x3FA3]  }
0x30: {  	s3 =	sld [smem:$0x3FA6]  }
0x31: {  	[smem:$0x3FAF] =	sst s10  }
0x32: {  	s10 =	sld [smem:$0x3FAD];
	_ =	sdelay $0x3  }
0x33: {  	p0 =	seq.s32 s10, $0x1;
	s10 =	sld [smem:$0x3FAF];
	_ =	sdelay $0x3  }
0x34: {  	[smem:$0x3FAF] =	sst s10  }
0x35: {  	s10 =	sld [smem:$0x3FAE];
	_ =	sdelay $0x3  }
0x36: {  	p1 =	seq.s32 s10, $0x1;
	s10 =	sld [smem:$0x3FAF];
	_ =	sdelay $0x3  }
0x37: {  	[smem:$0x3FAF] =	sst s10  }
0x38: {  	s10 =	sld [smem:$0x3FB0]  }
0x39: {  	_ = 	snop;
	(pc) =	sbr.ind lr, $3  }
0x3a: {  	_ = 	snop  }
0x3b: {  	_ = 	snop  }
0x3c: {  	p2 =	seq.s32 s10, $0x1;
	s10 =	sld [smem:$0x3FAF]  }
0x3d: {  	_ =	shalt  }
0x3e: {  	_ =	shalt  }
0x3f: {  	_ =	shalt  }
0x40: {  	_ =	shalt  }
0x41: {  	_ =	shalt  }
0x42: {  	_ =	shalt  }
0x43: {  	_ =	shalt  }
0x44: {  	_ =	shalt  }
0x45: {  	_ =	shalt  }
0x46: {  	_ =	shalt  }
0x47: {  	_ =	shalt  }
0x48: {  	_ =	shalt  }
0x49: {  	_ =	shalt  }
0x4a: {  	_ =	shalt  }
0x4b: {  	_ =	shalt  }
0x4c: {  	_ =	shalt  }
0x4d: {  	_ =	shalt  }
0x4e: {  	_ =	shalt  }
0x4f: {  	_ =	shalt  }
0x50: {  	_ =	shalt  }
0x51: {  	_ =	shalt  }
0x52: {  	_ =	shalt  }
0x53: {  	_ =	shalt  }
0x54: {  	_ =	shalt  }
0x55: {  	_ =	shalt  }
0x56: {  	_ =	shalt  }
0x57: {  	_ =	shalt  }
0x58: {  	_ =	shalt  }
0x59: {  	_ =	shalt  }
0x5a: {  	_ =	shalt  }
0x5b: {  	_ =	shalt  }
0x5c: {  	_ =	shalt  }
0x5d: {  	_ =	shalt  }
0x5e: {  	_ =	shalt  }
0x5f: {  	_ =	shalt  }
0x60: {  	_ =	shalt  }
0x61: {  	_ =	shalt  }
0x62: {  	_ =	shalt  }
0x63: {  	_ =	shalt  }
0x64: {  	_ =	shalt  }
0x65: {  	_ =	shalt  }
0x66: {  	_ =	shalt  }
0x67: {  	_ =	shalt  }
0x68: {  	_ =	shalt  }
0x69: {  	_ =	shalt  }
0x6a: {  	_ =	shalt  }
0x6b: {  	_ =	shalt  }
0x6c: {  	_ =	shalt  }
0x6d: {  	_ =	shalt  }
0x6e: {  	_ =	shalt  }
0x6f: {  	_ =	shalt  }
0x70: {  	_ =	shalt  }
0x71: {  	_ =	shalt  }
0x72: {  	_ =	shalt  }
0x73: {  	_ =	shalt  }
0x74: {  	_ =	shalt  }
0x75: {  	_ =	shalt  }
0x76: {  	_ =	shalt  }
0x77: {  	_ =	shalt  }
0x78: {  	_ =	shalt  }
0x79: {  	_ =	shalt  }
0x7a: {  	_ =	shalt  }
0x7b: {  	_ =	shalt  }
0x7c: {  	_ =	shalt  }
0x7d: {  	_ =	shalt  }
0x7e: {  	_ =	shalt  }
0x7f: {  	_ =	shalt  }
0x80: {  	_ =	shalt  }
0x81: {  	_ =	shalt  }
0x82: {  	_ =	shalt  }
0x83: {  	_ =	shalt  }
0x84: {  	_ =	shalt  }
0x85: {  	_ =	shalt  }
0x86: {  	_ =	shalt  }
0x87: {  	_ =	shalt  }
.Lfunc_end0:
.L_simem_size_0:
called_computation.1_lowered:
.L_overlay_start_0:
0x88: {  	s2 =	sld [smem:$0x3FD9]  }
0x89: {  	s3 =	sld [smem:$0x3FFE];
	_ =	sdelay $0x1  }
0x8a: {  	s1 =	srdreg.scid  }
0x8b: {  	s0 =	sand.u32 $0x1, s1  }
0x8c: {  	s17 =	sshll.u32 s0, $0xA;
	s2 =	sadd.s32 s3, s2  }
0x8d: {  	s2 =	sadd.s32 s2, s17  }
0x8e: {  	[smem:$0x3FBB] =	sst s2  }
0x8f: {  	_ = 	snop  }
0x90: {  	s2 =	sld [smem:$0x3FD0];
	(tm) =	ssettm $0x1  }
0x91: {  	s18 =	sld [smem:$0x3FFB];
	_ =	sdelay $0x3  }
0x92: {  	_ =	strace s18  }
0x93: {  	s3 =	sld [smem:$0x3FFC];
	_ =	sdelay $0x3  }
0x94: {  	_ =	strace s3  }
0x95: {  	s3 =	sld [smem:$0x3FFD];
	_ =	sdelay $0x3  }
0x96: {  	_ =	strace s3  }
0x97: {  	_ =	strace $0x8FFFFFFF  }
0x98: {  	s19 =	sld [smem:$0x3FDB];
	_ =	sdelay $0x1  }
0x99: {  	s4 =	simm.s32 $_scs_section_size  }
0x9a: {  	s5 =	simm.s32 $_size__tile_overlayer_lowered;
	s6 =	simm.s32 $_tile_overlayer_lowered  }
0x9b: {  	s22 =	simm.s32 $0x1BFF;
	s21 =	sshll.u32 s6, $0x1;
	s3 =	sadd.s32 s4, s19  }
0x9c: {  	s7 =	simm.s32 $0x0;
	s20 =	sshll.u32 s5, $0x1;
	s5 =	sadd.s32 s21, s3  }
0x9d: {  	[timem:s7], [sflag:s22] =	dma.local [hbm:s5], s20  }
0x9e: {  	_ =	swait.ge [sflag:s22], s20  }
0x9f: {  	s4 =	ssub.s32 $0x0, s20;
	[sflag:s22] =	ssyncset.done $0x0  }
0xa0: {  	[sflag:s22] =	ssyncadd.s32 s4;
	_ =	sdelay $0x1  }
0xa1: {  	s23 =	simm.s32 $0x1B8B  }
0xa2: {  	_ =	swait.ge [sflag:s23], $0x1  }
0xa3: {  	[sflag:s23] =	ssyncset.done $0x0  }
0xa4: {  	s25 =	simm.s32 $0x1B8E;
	s24 =	sld [smem:$0x3FFE];
	[sflag:s23] =	ssyncadd.s32 $0xFFFFFFFF  }
0xa5: {  	s26 =	simm.s32 $execute0_lowered;
	[smem:$0x3FD2] =	sst s25  }
0xa6: {  	s5 =	sshll.u32 s26, $0x1;
	_ =	strace $0x80000049;
	[dreg:$0x1] =	wrdreg $0xFFFFFFFF  }
0xa7: {  	s28 =	simm.s32 $_size_execute0_lowered;
	s3 =	sadd.s32 s3, s5;
	[dreg:$0x0] =	wrdreg $0x0  }
0xa8: {  	s5 =	sshll.u32 s28, $0x1;
	[dreg:$0x2] =	wrdreg s3  }
0xa9: {  	[dreg:$0x3] =	wrdreg s5  }
0xaa: {  	[dreg:$0x4] =	wrdreg $0xC0  }
0xab: {  	_ =	task [dreg:s7], $0x5FFFF  }
0xac: {  	[dreg:$0x1] =	wrdreg $0xFFFFFFFF  }
0xad: {  	[dreg:$0x0] =	wrdreg $0x60  }
0xae: {  	[dreg:$0x2] =	wrdreg s24  }
0xaf: {  	[dreg:$0x3] =	wrdreg s2  }
0xb0: {  	[dreg:$0x4] =	wrdreg $0x90000  }
0xb1: {  	[dreg:$0x5] =	wrdreg $0xB8000  }
0xb2: {  	[dreg:$0x6] =	wrdreg $0x9  }
0xb3: {  	_ =	task.clear_ibuf [dreg:s7], $0x7FFFF;
	_ =	strace $0x90000049  }
0xb4: {  	s29 =	simm.s32 $0x9;
	_ =	strace $0x8000004B  }
0xb5: {  	_ =	swait.ge [sflag:s29], $0x1  }
0xb6: {  	[sflag:s29] =	ssyncadd.s32 $0xFFFFFFFF  }
0xb7: {  	_ =	strace $0x9000004B  }
0xb8: {  	_ =	sfence  }
0xb9: {  	s30 =	sld [smem:$0x0];
	_ =	sdelay $0x2  }
0xba: {  	s31 =	sshll.u32 s1, $0xD;
	s1 =	sshrl.u32 s1, $0x2  }
0xbb: {  	s3 =	sand.u32 $0x4000, s31;
	s1 =	sadd.s32 s1, s30  }
0xbc: {  	s0 =	sor.u32 s3, s0;
	s1 =	sshll.u32 s1, $0x11  }
0xbd: {  	s0 =	sor.u32 s1, s0  }
0xbe: {  	s0 =	sadd.s32 $0x8F2B, s0  }
0xbf: {  	[sflag:s0] =	ssyncadd.remote.s32 $0x1  }
0xc0: {  	_ =	sfence.sel $0xFFFF  }
0xc1: {  	[dreg:$0x0] =	wrdreg $0xFFFFFFFF;
	(pc) =	sbr.abs _section_cstart, $3  }
0xc2: {  	[dreg:$0x1] =	wrdreg $0xFFFFFFFF  }
0xc3: {  	_ =	task.clear_ibuf [dreg:s7], $0x2FFFF;
	_ =	strace $0x9FFFFFFF  }
0xc4: {  	(tm) =	ssettm $0x7FFFFFFF  }
0xc5: {  	_ =	shalt  }
tec
execute0_lowered:
.L_overlay_start_1:
0x0: {  	(tag) =	ssettag $0x1  }
0x1: {  	s0 =	rddreg [dreg:$0x0]  }
0x2: {  	s1 =	rddreg [dreg:$0x1]  }
0x3: {  	s2 =	rddreg [dreg:$0x2]  }
0x4: {  	s3 =	rddreg [dreg:$0x3];
	s11 =	stileid.u32;
	s4 =	simm.s32 $0x0  }
0x5: {  	s5 =	srdreg.scid;
	s20 =	simm.s32 $0x3;
	s28 =	simm.s32 $0x5000  }
0x6: {  	s29 =	simm.s32 $0x2;
	s30 =	simm.s32 $0x0;
	s9 =	smul.u32 $0x2800, s11  }
0x7: {  	[smem:$0x7FF] =	sst s4;
	s6 =	sand.u32 $0x1, s5;
	s18 =	sadd.s32 $0x3400, s0  }
0x8: {  	s23 =	sadd.s32 $0x12800, s0;
	s7 =	smul.u32 $0x28000, s6;
	s8 =	sshll.u32 s6, $0x4  }
0x9: {  	_ =	strace $0x8000004A;
	[dreg:$0x5] =	wrdreg s23;
	s6 =	ssub.s32 $0x2, s6  }
0xa: {  	s23 =	simm.s32 $0x400;
	s21 =	sshrl.u32 s9, $0x3;
	s22 =	sor.u32 s11, s8  }
0xb: {  	s24 =	sshrl.u32 s6, $0x1;
	s10 =	sadd.s32 s21, s0;
	s16 =	sadd.s32 s9, s7  }
0xc: {  	s11 =	smul.u32 $0x2800, s22;
	s12 =	ssub.s32 s6, s24;
	s22 =	sadd.s32 s9, s2  }
0xd: {  	s9 =	sadd.s32 s9, s3;
	s21 =	simm.s32 $0x800;
	s24 =	simm.s32 $0x1000  }
0xe: {  	s7 =	sshrl.u32 s16, $0x3;
	s8 =	sadd.s32 $0xD400, s10;
	s26 =	sadd.s32 $0x1000, s16  }
0xf: {  	s19 =	sadd.s32 $0xC00, s16;
	s22 =	sshrl.u32 s22, $0x3;
	s0 =	sadd.s32 s7, s0  }
0x10: {  	s13 =	sshrl.u32 s11, $0x3;
	s11 =	sor.u32 $0x400, s11;
	s31 =	sshrl.u32 s19, $0x3  }
0x11: {  	s6 =	sadd.s32 s1, s13;
	s7 =	sadd.s32 s18, s13;
	s10 =	sadd.s32 $0x12E00, s0  }
.Ltmp0:
0x12: {  	s25 =	sshrl.u32 s11, $0x3;
	s11 =	smax.u32 s12, $0x1;
	(pc) =	sbr.rel .LBB2_1-.Ltmp0, $4  }
0x13: {  	s15 =	sadd.s32 $0x100, s13;
	s0 =	sshrl.u32 s26, $0x3;
	s19 =	sadd.s32 s31, s1  }
0x14: {  	s26 =	simm.s32 $0xC00;
	s12 =	sadd.s32 s1, s25;
	s13 =	sadd.s32 s18, s25  }
0x15: {  	s14 =	sadd.s32 s1, s15;
	s15 =	sadd.s32 s18, s15;
	s16 =	sadd.s32 s0, s18  }
0x16: {  	s17 =	sadd.s32 s0, s1;
	s18 =	sadd.s32 s31, s18;
	s25 =	simm.s32 $0x1  }
.LBB2_4:
0x17: {  	[spmem:s3] =	stream.indirect.scatter.add.f32 [tilespmem:s28], [sflag:$0x2], $0x10, s26, s23, $0xb8;
	[tilespmem:$0xE000] =	vst v63  }
0x18: {  	_ =	swait.ge [sflag:s29], $0x4000  }
0x19: {  	s30 =	sadd.s32 $0x1, s30;
	[sflag:s29] =	ssyncset.done $0x0  }
0x1a: {  	p0 =	sne.s32 s30, s11;
	[sflag:s29] =	ssyncadd.s32 $0xFFFFC000  }
.Ltmp1:
0x1b: {  	[bflag:$0x0] =	sbarrier.arrive $0xFFFF;
	(pc) =	sbr.rel @!p0 .LBB2_5-.Ltmp1, $4  }
0x1c: {  	[hbm:s10], [sflag:s31] =	dma.local [spmem:s0], $0x500  }
0x1d: {  	_ =	swait.ge [sflag:s20], $0x500  }
0x1e: {  	[sflag:s20] =	ssyncset.done $0x0  }
0x1f: {  	[sflag:s20] =	ssyncadd.s32 $0xFFFFFB00  }
.LBB2_1:
0x20: {  	[tilespmem:s4], [sflag:$0x3] =	stream.linear.gather [hbm4b:s6+s4], $0x400, $0x38;
	[tilespmem:$0xE000] =	vst v63  }
0x21: {  	_ =	swait.ge [sflag:s20], $0x400  }
0x22: {  	[sflag:s20] =	ssyncset.done $0x0  }
0x23: {  	[sflag:s20] =	ssyncadd.s32 $0xFFFFFC00  }
0x24: {  	[tilespmem:s21], [sflag:$0x3] =	stream.linear.gather [hbm4b:s7+s4], $0x400, $0x38;
	[tilespmem:$0xE000] =	vst v63  }
0x25: {  	s0 =	stileid.u32;
	_ =	swait.ge [sflag:s20], $0x400  }
0x26: {  	s0 =	sshll.u32 s0, $0x6;
	[sflag:s20] =	ssyncset.done $0x0  }
0x27: {  	s31 =	sor.u32 $0x1C03, s0;
	[sflag:s20] =	ssyncadd.s32 $0xFFFFFC00  }
0x28: {  	[spmem:s22], [sflag:s31] =	dma.local [hbm:s8], $0x500  }
0x29: {  	_ =	swait.ge [sflag:s20], $0x500  }
0x2a: {  	[sflag:s20] =	ssyncset.done $0x0  }
0x2b: {  	s0 =	sshrl.u32 s9, $0x3;
	s1 =	rddreg [dreg:$0x5];
	[sflag:s20] =	ssyncadd.s32 $0xFFFFFB00  }
0x2c: {  	[spmem:s0], [sflag:s31] =	dma.local [hbm:s1], $0x500  }
0x2d: {  	_ =	swait.ge [sflag:s20], $0x500  }
0x2e: {  	[sflag:s20] =	ssyncset.done $0x0  }
0x2f: {  	[sflag:s20] =	ssyncadd.s32 $0xFFFFFB00  }
0x30: {  	[bflag:$0x0] =	sbarrier.arrive $0xFFFF  }
0x31: {  	[tilespmem:s24], [sflag:$0x1] =	stream.indirect.gather [spmem:s2], $0x10, s4, s23, $0xb8;
	[tilespmem:$0xE000] =	vst v63  }
0x32: {  	_ =	swait.ge [sflag:s25], $0x4000  }
0x33: {  	[sflag:s25] =	ssyncset.done $0x0  }
0x34: {  	[sflag:s25] =	ssyncadd.s32 $0xFFFFC000  }
0x35: {  	[tilespmem:s23], [sflag:$0x3] =	stream.linear.gather [hbm4b:s12+s4], $0x400, $0x38;
	[tilespmem:$0xE000] =	vst v63  }
0x36: {  	_ =	swait.ge [sflag:s20], $0x400  }
0x37: {  	[sflag:s20] =	ssyncset.done $0x0  }
0x38: {  	[sflag:s20] =	ssyncadd.s32 $0xFFFFFC00  }
0x39: {  	[tilespmem:s26], [sflag:$0x3] =	stream.linear.gather [hbm4b:s13+s4], $0x400, $0x38;
	[tilespmem:$0xE000] =	vst v63  }
0x3a: {  	_ =	swait.ge [sflag:s20], $0x400  }
0x3b: {  	[sflag:s20] =	ssyncset.done $0x0  }
0x3c: {  	[sflag:s20] =	ssyncadd.s32 $0xFFFFFC00  }
0x3d: {  	[tilespmem:s28], [sflag:$0x1] =	stream.indirect.gather [spmem:s2], $0x10, s23, s23, $0xb8;
	[tilespmem:$0xE000] =	vst v63  }
0x3e: {  	_ = 	snop  }
0x3f: {  	[spmem:s3] =	stream.indirect.scatter.add.f32 [tilespmem:s24], [sflag:$0x2], $0x10, s21, s23, $0xb8;
	[tilespmem:$0xE000] =	vst v63  }
0x40: {  	_ =	swait.ge [sflag:s25], $0x4000  }
0x41: {  	[sflag:s25] =	ssyncset.done $0x0  }
0x42: {  	[sflag:s25] =	ssyncadd.s32 $0xFFFFC000  }
0x43: {  	_ =	swait.ge [sflag:s29], $0x4000  }
0x44: {  	[sflag:s29] =	ssyncset.done $0x0  }
0x45: {  	[sflag:s29] =	ssyncadd.s32 $0xFFFFC000  }
0x46: {  	[tilespmem:s4], [sflag:$0x3] =	stream.linear.gather [hbm4b:s14+s4], $0x400, $0x38;
	[tilespmem:$0xE000] =	vst v63  }
0x47: {  	_ =	swait.ge [sflag:s20], $0x400  }
0x48: {  	[sflag:s20] =	ssyncset.done $0x0  }
0x49: {  	[sflag:s20] =	ssyncadd.s32 $0xFFFFFC00  }
0x4a: {  	[tilespmem:s21], [sflag:$0x3] =	stream.linear.gather [hbm4b:s15+s4], $0x400, $0x38;
	[tilespmem:$0xE000] =	vst v63  }
0x4b: {  	_ =	swait.ge [sflag:s20], $0x400  }
0x4c: {  	[sflag:s20] =	ssyncset.done $0x0  }
0x4d: {  	[sflag:s20] =	ssyncadd.s32 $0xFFFFFC00  }
0x4e: {  	[tilespmem:s24], [sflag:$0x1] =	stream.indirect.gather [spmem:s2], $0x10, s4, s23, $0xb8;
	[tilespmem:$0xE000] =	vst v63  }
0x4f: {  	s1 =	simm.s32 $0x0  }
0x50: {  	[spmem:s3] =	stream.indirect.scatter.add.f32 [tilespmem:s28], [sflag:$0x2], $0x10, s26, s23, $0xb8;
	[tilespmem:$0xE000] =	vst v63  }
.LBB2_2:
0x51: {  	_ =	swait.ge [sflag:s25], $0x4000  }
0x52: {  	[sflag:s25] =	ssyncset.done $0x0  }
0x53: {  	[sflag:s25] =	ssyncadd.s32 $0xFFFFC000  }
0x54: {  	_ =	swait.ge [sflag:s29], $0x4000  }
0x55: {  	[sflag:s29] =	ssyncset.done $0x0  }
0x56: {  	s5 =	sadd.s32 s1, s19;
	[sflag:s29] =	ssyncadd.s32 $0xFFFFC000  }
0x57: {  	[tilespmem:s23], [sflag:$0x3] =	stream.linear.gather [hbm4b:s5+s4], $0x400, $0x38;
	[tilespmem:$0xE000] =	vst v63  }
0x58: {  	_ =	swait.ge [sflag:s20], $0x400  }
0x59: {  	[sflag:s20] =	ssyncset.done $0x0  }
0x5a: {  	s5 =	sadd.s32 s1, s18;
	[sflag:s20] =	ssyncadd.s32 $0xFFFFFC00  }
0x5b: {  	[tilespmem:s26], [sflag:$0x3] =	stream.linear.gather [hbm4b:s5+s4], $0x400, $0x38;
	[tilespmem:$0xE000] =	vst v63  }
0x5c: {  	_ =	swait.ge [sflag:s20], $0x400  }
0x5d: {  	[sflag:s20] =	ssyncset.done $0x0  }
0x5e: {  	[sflag:s20] =	ssyncadd.s32 $0xFFFFFC00  }
0x5f: {  	[tilespmem:s28], [sflag:$0x1] =	stream.indirect.gather [spmem:s2], $0x10, s23, s23, $0xb8;
	[tilespmem:$0xE000] =	vst v63  }
0x60: {  	_ = 	snop  }
0x61: {  	[spmem:s3] =	stream.indirect.scatter.add.f32 [tilespmem:s24], [sflag:$0x2], $0x10, s21, s23, $0xb8;
	[tilespmem:$0xE000] =	vst v63  }
0x62: {  	p0 =	seq.s32 s1, $0x300;
	_ =	swait.ge [sflag:s25], $0x4000  }
.Ltmp2:
0x63: {  	[sflag:s25] =	ssyncset.done $0x0;
	(pc) =	sbr.rel @p0 .LBB2_4-.Ltmp2, $4  }
0x64: {  	[sflag:s25] =	ssyncadd.s32 $0xFFFFC000  }
0x65: {  	_ =	swait.ge [sflag:s29], $0x4000  }
0x66: {  	[sflag:s29] =	ssyncset.done $0x0  }
0x67: {  	[sflag:s29] =	ssyncadd.s32 $0xFFFFC000  }
0x68: {  	s5 =	sadd.s32 s1, s17  }
0x69: {  	[tilespmem:s4], [sflag:$0x3] =	stream.linear.gather [hbm4b:s5+s4], $0x400, $0x38;
	[tilespmem:$0xE000] =	vst v63  }
0x6a: {  	_ =	swait.ge [sflag:s20], $0x400  }
0x6b: {  	[sflag:s20] =	ssyncset.done $0x0  }
0x6c: {  	s5 =	sadd.s32 s1, s16;
	[sflag:s20] =	ssyncadd.s32 $0xFFFFFC00  }
0x6d: {  	[tilespmem:s21], [sflag:$0x3] =	stream.linear.gather [hbm4b:s5+s4], $0x400, $0x38;
	[tilespmem:$0xE000] =	vst v63  }
0x6e: {  	_ =	swait.ge [sflag:s20], $0x400  }
.Ltmp3:
0x6f: {  	[sflag:s20] =	ssyncset.done $0x0;
	(pc) =	sbr.rel .LBB2_2-.Ltmp3, $4  }
0x70: {  	[sflag:s20] =	ssyncadd.s32 $0xFFFFFC00  }
0x71: {  	[tilespmem:s24], [sflag:$0x1] =	stream.indirect.gather [spmem:s2], $0x10, s4, s23, $0xb8;
	[tilespmem:$0xE000] =	vst v63  }
0x72: {  	s1 =	sadd.s32 $0x100, s1  }
0x73: {  	[spmem:s3] =	stream.indirect.scatter.add.f32 [tilespmem:s28], [sflag:$0x2], $0x10, s26, s23, $0xb8;
	[tilespmem:$0xE000] =	vst v63  }
.LBB2_5:
0x74: {  	_ =	sfence.sel $0x180000  }
0x75: {  	[bflag:$0x0] =	sbarrier.arrive $0xFFFF  }
0x76: {  	_ =	strace $0x9000004A  }
0x77: {  	s0 =	stileid.u32;
	[bflag:$0x2] =	sbarrier.arrive $0xFFFF  }
0x78: {  	p0 =	sne.s32 s0, $0x0;
	s0 =	rddreg [dreg:$0x4]  }
0x79: {  	s0 =	sadd.s32 @!p0 $0x100000, s0  }
0x7a: {  	[sflag:s0] =	ssyncadd.tile.s32 @!p0 $0x1;
	_ =	shalt  }
.Lfunc_end2:
_tile_overlayer_lowered:
.L_overlay_start_2:
0x7b: {  	(tag) =	ssettag $0x2  }
0x7c: {  	s0 =	rddreg [dreg:$0x0];
	s2 =	stileid.u32  }
0x7d: {  	s1 =	rddreg [dreg:$0x1];
	p0 =	sne.s32 s2, $0x0  }
0x7e: {  	s3 =	rddreg [dreg:$0x2];
	[bflag:$0x3] =	sbarrier.arrive $0xFFFF;
	s2 =	simm.s32 @!p0 $0x1C03  }
0x7f: {  	[timem:s3], [sflag:s2] =	dma.local @!p0 [hbm:s0], s1  }
0x80: {  	s0 =	simm.s32 @!p0 $0x3  }
0x81: {  	_ =	swait.ge @!p0 [sflag:s0], s1  }
0x82: {  	s1 =	ssub.s32 @!p0 $0x0, s1;
	[sflag:s0] =	ssyncset.done @!p0 $0x0  }
0x83: {  	[sflag:s0] =	ssyncadd.s32 @!p0 s1  }
0x84: {  	[bflag:$0x3] =	sbarrier.arrive $0xFFFF  }
0x85: {  	_ =	shalt  }

// kernel: kernel.16.cloned.1.call-start
scs
__scs_entry_jumppad:
0x0: {  	(pc) =	sbr.rel $0x88, $3  }
0x1: {  	(tag) =	ssettag $0x0;
	lr =	simm.s32 $0x1  }
0x2: {  	[smem:$0x3F94] =	sst lr;
	_ =	strace $0xD0000000  }
0x3: {  	_ = 	snop  }
0x4: {  	_ = 	snop  }
0x5: {  	_ = 	snop  }
0x6: {  	_ = 	snop  }
0x7: {  	_ = 	snop  }
__scs_overlays_trampoline_lowered:
0x8: {  	[smem:$0x3FA3] =	sst s0  }
0x9: {  	[smem:$0x3FA4] =	sst s1  }
0xa: {  	[smem:$0x3FA5] =	sst s2  }
0xb: {  	[smem:$0x3FA6] =	sst s3  }
0xc: {  	[smem:$0x3FA7] =	sst s4  }
0xd: {  	[smem:$0x3FA8] =	sst s5  }
0xe: {  	[smem:$0x3FA9] =	sst s6  }
0xf: {  	[smem:$0x3FAA] =	sst s7  }
0x10: {  	[smem:$0x3FAB] =	sst s8  }
0x11: {  	[smem:$0x3FAC] =	sst s9;
	s0 =	simm.s32 @!p0 $0x0  }
0x12: {  	s1 =	sld [smem:$0x3F92];
	s0 =	simm.s32 @p0 $0x1  }
0x13: {  	[smem:$0x3FAD] =	sst s0;
	s0 =	simm.s32 @!p1 $0x0  }
0x14: {  	s2 =	sld [smem:$0x3F91];
	s0 =	simm.s32 @p1 $0x1  }
0x15: {  	[smem:$0x3FAE] =	sst s0;
	s0 =	simm.s32 @!p2 $0x0  }
0x16: {  	s3 =	sld [smem:$0x3FDB];
	s0 =	simm.s32 @p2 $0x1  }
0x17: {  	s4 =	simm.s32 $0x1BF5;
	[smem:$0x3FB0] =	sst s0  }
0x18: {  	s0 =	sld [smem:$0x3F93];
	_ =	swait.ge [sflag:s4], $0x0  }
0x19: {  	s7 =	sld [smem:$0x3F94]  }
0x1a: {  	s8 =	sadd.s32 $0xFFFFE003, lr  }
0x1b: {  	s9 =	sadd.s32 $0xFFFFFEF7, lr;
	s5 =	simm.s32 $0xFFFFFFFF;
	p2 =	slt.u32 s8, $0xFFFFF086  }
0x1c: {  	p1 =	slt.u32 s9, $0xF7A;
	s5 =	simm.s32 @!p2 $0x0  }
0x1d: {  	s5 =	simm.s32 @p1 $0x1;
	p0 =	seq.s32 s7, s2  }
0x1e: {  	s7 =	smul.u32 @!p0 $0xF7A, s2;
	p2 =	seq.s32 @!p0 s5, $0x0  }
0x1f: {  	s9 =	smul.u32 $0xF7A, s1;
	s8 =	simm.s32 @!p0 $0x1BF5;
	p2 =	por !p2, p0  }
0x20: {  	[sflag:s8] =	ssyncset.s32 @!p0 $0xFFFFF086;
	s6 =	sadd.s32 @!p0 s3, s7;
	s7 =	simm.s32 @!p0 $0x108  }
0x21: {  	s3 =	sadd.s32 s3, s9;
	s6 =	sadd.s32 @!p0 $0x88, s6;
	s7 =	simm.s32 @p2 $0x1082  }
0x22: {  	[simem:s7], [sflag:s8] =	dma.local @!p0 [hbm:s6], $0xF7A  }
0x23: {  	s9 =	sor.u32 $0xD0000000, s2;
	s6 =	simm.s32 $0x108;
	_ =	swait.ge @!p0 [sflag:s8], $0x0  }
0x24: {  	s3 =	sadd.s32 $0x88, s3;
	s6 =	simm.s32 @!p1 $0x1082;
	[sflag:s4] =	ssyncset.s32 $0xFFFFF086  }
0x25: {  	[simem:s6], [sflag:s4] =	dma.local [hbm:s3], $0xF7A  }
0x26: {  	[smem:$0x3F94] =	sst s1;
	(tag) =	ssettag s2;
	_ =	strace s9  }
0x27: {  	s1 =	sld [smem:$0x3FA4]  }
0x28: {  	s2 =	sld [smem:$0x3FA5]  }
0x29: {  	s4 =	sld [smem:$0x3FA7]  }
0x2a: {  	p0 =	seq.s32 s5, $0x0;
	s5 =	sld [smem:$0x3FA8]  }
0x2b: {  	s6 =	sld [smem:$0x3FA9]  }
0x2c: {  	s7 =	sld [smem:$0x3FAA]  }
0x2d: {  	s3 =	simm.s32 $0x108;
	s8 =	sld [smem:$0x3FAB]  }
0x2e: {  	s3 =	simm.s32 @!p0 $0x1082;
	s9 =	sld [smem:$0x3FAC]  }
0x2f: {  	lr =	sadd.s32 s0, s3;
	s0 =	sld [smem:$0x3FA3]  }
0x30: {  	s3 =	sld [smem:$0x3FA6]  }
0x31: {  	[smem:$0x3FAF] =	sst s10  }
0x32: {  	s10 =	sld [smem:$0x3FAD];
	_ =	sdelay $0x3  }
0x33: {  	p0 =	seq.s32 s10, $0x1;
	s10 =	sld [smem:$0x3FAF];
	_ =	sdelay $0x3  }
0x34: {  	[smem:$0x3FAF] =	sst s10  }
0x35: {  	s10 =	sld [smem:$0x3FAE];
	_ =	sdelay $0x3  }
0x36: {  	p1 =	seq.s32 s10, $0x1;
	s10 =	sld [smem:$0x3FAF];
	_ =	sdelay $0x3  }
0x37: {  	[smem:$0x3FAF] =	sst s10  }
0x38: {  	s10 =	sld [smem:$0x3FB0]  }
0x39: {  	_ = 	snop;
	(pc) =	sbr.ind lr, $3  }
0x3a: {  	_ = 	snop  }
0x3b: {  	_ = 	snop  }
0x3c: {  	p2 =	seq.s32 s10, $0x1;
	s10 =	sld [smem:$0x3FAF]  }
0x3d: {  	_ =	shalt  }
0x3e: {  	_ =	shalt  }
0x3f: {  	_ =	shalt  }
0x40: {  	_ =	shalt  }
0x41: {  	_ =	shalt  }
0x42: {  	_ =	shalt  }
0x43: {  	_ =	shalt  }
0x44: {  	_ =	shalt  }
0x45: {  	_ =	shalt  }
0x46: {  	_ =	shalt  }
0x47: {  	_ =	shalt  }
0x48: {  	_ =	shalt  }
0x49: {  	_ =	shalt  }
0x4a: {  	_ =	shalt  }
0x4b: {  	_ =	shalt  }
0x4c: {  	_ =	shalt  }
0x4d: {  	_ =	shalt  }
0x4e: {  	_ =	shalt  }
0x4f: {  	_ =	shalt  }
0x50: {  	_ =	shalt  }
0x51: {  	_ =	shalt  }
0x52: {  	_ =	shalt  }
0x53: {  	_ =	shalt  }
0x54: {  	_ =	shalt  }
0x55: {  	_ =	shalt  }
0x56: {  	_ =	shalt  }
0x57: {  	_ =	shalt  }
0x58: {  	_ =	shalt  }
0x59: {  	_ =	shalt  }
0x5a: {  	_ =	shalt  }
0x5b: {  	_ =	shalt  }
0x5c: {  	_ =	shalt  }
0x5d: {  	_ =	shalt  }
0x5e: {  	_ =	shalt  }
0x5f: {  	_ =	shalt  }
0x60: {  	_ =	shalt  }
0x61: {  	_ =	shalt  }
0x62: {  	_ =	shalt  }
0x63: {  	_ =	shalt  }
0x64: {  	_ =	shalt  }
0x65: {  	_ =	shalt  }
0x66: {  	_ =	shalt  }
0x67: {  	_ =	shalt  }
0x68: {  	_ =	shalt  }
0x69: {  	_ =	shalt  }
0x6a: {  	_ =	shalt  }
0x6b: {  	_ =	shalt  }
0x6c: {  	_ =	shalt  }
0x6d: {  	_ =	shalt  }
0x6e: {  	_ =	shalt  }
0x6f: {  	_ =	shalt  }
0x70: {  	_ =	shalt  }
0x71: {  	_ =	shalt  }
0x72: {  	_ =	shalt  }
0x73: {  	_ =	shalt  }
0x74: {  	_ =	shalt  }
0x75: {  	_ =	shalt  }
0x76: {  	_ =	shalt  }
0x77: {  	_ =	shalt  }
0x78: {  	_ =	shalt  }
0x79: {  	_ =	shalt  }
0x7a: {  	_ =	shalt  }
0x7b: {  	_ =	shalt  }
0x7c: {  	_ =	shalt  }
0x7d: {  	_ =	shalt  }
0x7e: {  	_ =	shalt  }
0x7f: {  	_ =	shalt  }
0x80: {  	_ =	shalt  }
0x81: {  	_ =	shalt  }
0x82: {  	_ =	shalt  }
0x83: {  	_ =	shalt  }
0x84: {  	_ =	shalt  }
0x85: {  	_ =	shalt  }
0x86: {  	_ =	shalt  }
0x87: {  	_ =	shalt  }
.Lfunc_end0:
.L_simem_size_0:
called_computation.2_lowered:
.L_overlay_start_0:
0x88: {  	s2 =	sld [smem:$0x3FD9]  }
0x89: {  	s3 =	sld [smem:$0x3FFE];
	_ =	sdelay $0x1  }
0x8a: {  	s1 =	srdreg.scid  }
0x8b: {  	s0 =	sand.u32 $0x1, s1  }
0x8c: {  	s17 =	sshll.u32 s0, $0xA;
	s2 =	sadd.s32 s3, s2  }
0x8d: {  	s2 =	sadd.s32 s2, s17  }
0x8e: {  	[smem:$0x3FBB] =	sst s2  }
0x8f: {  	_ = 	snop  }
0x90: {  	s2 =	sld [smem:$0x3FD0];
	(tm) =	ssettm $0x1  }
0x91: {  	s18 =	sld [smem:$0x3FFB];
	_ =	sdelay $0x3  }
0x92: {  	_ =	strace s18  }
0x93: {  	s3 =	sld [smem:$0x3FFC];
	_ =	sdelay $0x3  }
0x94: {  	_ =	strace s3  }
0x95: {  	s3 =	sld [smem:$0x3FFD];
	_ =	sdelay $0x3  }
0x96: {  	_ =	strace s3  }
0x97: {  	_ =	strace $0x8FFFFFFF  }
0x98: {  	s19 =	sld [smem:$0x3FDB];
	_ =	sdelay $0x1  }
0x99: {  	s4 =	simm.s32 $_scs_section_size  }
0x9a: {  	s5 =	simm.s32 $_size__tile_overlayer_lowered;
	s6 =	simm.s32 $_tile_overlayer_lowered  }
0x9b: {  	s22 =	simm.s32 $0x1BFF;
	s21 =	sshll.u32 s6, $0x1;
	s3 =	sadd.s32 s4, s19  }
0x9c: {  	s7 =	simm.s32 $0x0;
	s20 =	sshll.u32 s5, $0x1;
	s5 =	sadd.s32 s21, s3  }
0x9d: {  	[timem:s7], [sflag:s22] =	dma.local [hbm:s5], s20  }
0x9e: {  	_ =	swait.ge [sflag:s22], s20  }
0x9f: {  	s4 =	ssub.s32 $0x0, s20;
	[sflag:s22] =	ssyncset.done $0x0  }
0xa0: {  	[sflag:s22] =	ssyncadd.s32 s4;
	_ =	sdelay $0x1  }
0xa1: {  	s23 =	simm.s32 $0x1B8B  }
0xa2: {  	_ =	swait.ge [sflag:s23], $0x1  }
0xa3: {  	[sflag:s23] =	ssyncset.done $0x0  }
0xa4: {  	s25 =	simm.s32 $0x1B8E;
	s24 =	sld [smem:$0x3FFE];
	[sflag:s23] =	ssyncadd.s32 $0xFFFFFFFF  }
0xa5: {  	s26 =	simm.s32 $execute0_lowered;
	[smem:$0x3FD2] =	sst s25  }
0xa6: {  	s5 =	sshll.u32 s26, $0x1;
	_ =	strace $0x8000004C;
	[dreg:$0x1] =	wrdreg $0xFFFFFFFF  }
0xa7: {  	s28 =	simm.s32 $_size_execute0_lowered;
	s3 =	sadd.s32 s3, s5;
	[dreg:$0x0] =	wrdreg $0x0  }
0xa8: {  	s5 =	sshll.u32 s28, $0x1;
	[dreg:$0x2] =	wrdreg s3  }
0xa9: {  	[dreg:$0x3] =	wrdreg s5  }
0xaa: {  	[dreg:$0x4] =	wrdreg $0xC0  }
0xab: {  	_ =	task [dreg:s7], $0x5FFFF  }
0xac: {  	[dreg:$0x1] =	wrdreg $0xFFFFFFFF  }
0xad: {  	[dreg:$0x0] =	wrdreg $0x60  }
0xae: {  	[dreg:$0x2] =	wrdreg s24  }
0xaf: {  	[dreg:$0x3] =	wrdreg s2  }
0xb0: {  	[dreg:$0x4] =	wrdreg $0x90000  }
0xb1: {  	[dreg:$0x5] =	wrdreg $0xB8000  }
0xb2: {  	[dreg:$0x6] =	wrdreg $0x9  }
0xb3: {  	_ =	task.clear_ibuf [dreg:s7], $0x7FFFF;
	_ =	strace $0x9000004C  }
0xb4: {  	s29 =	simm.s32 $0x9;
	_ =	strace $0x8000004E  }
0xb5: {  	_ =	swait.ge [sflag:s29], $0x1  }
0xb6: {  	[sflag:s29] =	ssyncadd.s32 $0xFFFFFFFF  }
0xb7: {  	_ =	strace $0x9000004E  }
0xb8: {  	_ =	sfence  }
0xb9: {  	s30 =	sld [smem:$0x0];
	_ =	sdelay $0x2  }
0xba: {  	s31 =	sshll.u32 s1, $0xD;
	s1 =	sshrl.u32 s1, $0x2  }
0xbb: {  	s3 =	sand.u32 $0x4000, s31;
	s1 =	sadd.s32 s1, s30  }
0xbc: {  	s0 =	sor.u32 s3, s0;
	s1 =	sshll.u32 s1, $0x11  }
0xbd: {  	s0 =	sor.u32 s1, s0  }
0xbe: {  	s0 =	sadd.s32 $0x8F2B, s0  }
0xbf: {  	[sflag:s0] =	ssyncadd.remote.s32 $0x1  }
0xc0: {  	_ =	sfence.sel $0xFFFF  }
0xc1: {  	[dreg:$0x0] =	wrdreg $0xFFFFFFFF;
	(pc) =	sbr.abs _section_cstart, $3  }
0xc2: {  	[dreg:$0x1] =	wrdreg $0xFFFFFFFF  }
0xc3: {  	_ =	task.clear_ibuf [dreg:s7], $0x2FFFF;
	_ =	strace $0x9FFFFFFF  }
0xc4: {  	(tm) =	ssettm $0x7FFFFFFF  }
0xc5: {  	_ =	shalt  }
tec
execute0_lowered:
.L_overlay_start_1:
0x0: {  	(tag) =	ssettag $0x1  }
0x1: {  	s0 =	rddreg [dreg:$0x0]  }
0x2: {  	s1 =	rddreg [dreg:$0x1]  }
0x3: {  	s2 =	rddreg [dreg:$0x2]  }
0x4: {  	s3 =	rddreg [dreg:$0x3];
	s11 =	stileid.u32;
	s4 =	simm.s32 $0x0  }
0x5: {  	s5 =	srdreg.scid;
	s20 =	simm.s32 $0x3;
	s28 =	simm.s32 $0x5000  }
0x6: {  	s29 =	simm.s32 $0x2;
	s30 =	simm.s32 $0x0;
	s9 =	smul.u32 $0x2800, s11  }
0x7: {  	[smem:$0x7FF] =	sst s4;
	s6 =	sand.u32 $0x1, s5;
	s18 =	sadd.s32 $0x3400, s0  }
0x8: {  	s23 =	sadd.s32 $0x12800, s0;
	s7 =	smul.u32 $0x28000, s6;
	s8 =	sshll.u32 s6, $0x4  }
0x9: {  	_ =	strace $0x8000004D;
	[dreg:$0x5] =	wrdreg s23;
	s6 =	ssub.s32 $0x2, s6  }
0xa: {  	s23 =	simm.s32 $0x400;
	s21 =	sshrl.u32 s9, $0x3;
	s22 =	sor.u32 s11, s8  }
0xb: {  	s24 =	sshrl.u32 s6, $0x1;
	s10 =	sadd.s32 s21, s0;
	s16 =	sadd.s32 s9, s7  }
0xc: {  	s11 =	smul.u32 $0x2800, s22;
	s12 =	ssub.s32 s6, s24;
	s22 =	sadd.s32 s9, s2  }
0xd: {  	s9 =	sadd.s32 s9, s3;
	s21 =	simm.s32 $0x800;
	s24 =	simm.s32 $0x1000  }
0xe: {  	s7 =	sshrl.u32 s16, $0x3;
	s8 =	sadd.s32 $0xD400, s10;
	s26 =	sadd.s32 $0x1000, s16  }
0xf: {  	s19 =	sadd.s32 $0xC00, s16;
	s22 =	sshrl.u32 s22, $0x3;
	s0 =	sadd.s32 s7, s0  }
0x10: {  	s13 =	sshrl.u32 s11, $0x3;
	s11 =	sor.u32 $0x400, s11;
	s31 =	sshrl.u32 s19, $0x3  }
0x11: {  	s6 =	sadd.s32 s1, s13;
	s7 =	sadd.s32 s18, s13;
	s10 =	sadd.s32 $0x12E00, s0  }
.Ltmp0:
0x12: {  	s25 =	sshrl.u32 s11, $0x3;
	s11 =	smax.u32 s12, $0x1;
	(pc) =	sbr.rel .LBB2_1-.Ltmp0, $4  }
0x13: {  	s15 =	sadd.s32 $0x100, s13;
	s0 =	sshrl.u32 s26, $0x3;
	s19 =	sadd.s32 s31, s1  }
0x14: {  	s26 =	simm.s32 $0xC00;
	s12 =	sadd.s32 s1, s25;
	s13 =	sadd.s32 s18, s25  }
0x15: {  	s14 =	sadd.s32 s1, s15;
	s15 =	sadd.s32 s18, s15;
	s16 =	sadd.s32 s0, s18  }
0x16: {  	s17 =	sadd.s32 s0, s1;
	s18 =	sadd.s32 s31, s18;
	s25 =	simm.s32 $0x1  }
.LBB2_4:
0x17: {  	[spmem:s3] =	stream.indirect.scatter.add.f32 [tilespmem:s28], [sflag:$0x2], $0x10, s26, s23, $0xb8;
	[tilespmem:$0xE000] =	vst v63  }
0x18: {  	_ =	swait.ge [sflag:s29], $0x4000  }
0x19: {  	s30 =	sadd.s32 $0x1, s30;
	[sflag:s29] =	ssyncset.done $0x0  }
0x1a: {  	p0 =	sne.s32 s30, s11;
	[sflag:s29] =	ssyncadd.s32 $0xFFFFC000  }
.Ltmp1:
0x1b: {  	[bflag:$0x0] =	sbarrier.arrive $0xFFFF;
	(pc) =	sbr.rel @!p0 .LBB2_5-.Ltmp1, $4  }
0x1c: {  	[hbm:s10], [sflag:s31] =	dma.local [spmem:s0], $0x500  }
0x1d: {  	_ =	swait.ge [sflag:s20], $0x500  }
0x1e: {  	[sflag:s20] =	ssyncset.done $0x0  }
0x1f: {  	[sflag:s20] =	ssyncadd.s32 $0xFFFFFB00  }
.LBB2_1:
0x20: {  	[tilespmem:s4], [sflag:$0x3] =	stream.linear.gather [hbm4b:s6+s4], $0x400, $0x38;
	[tilespmem:$0xE000] =	vst v63  }
0x21: {  	_ =	swait.ge [sflag:s20], $0x400  }
0x22: {  	[sflag:s20] =	ssyncset.done $0x0  }
0x23: {  	[sflag:s20] =	ssyncadd.s32 $0xFFFFFC00  }
0x24: {  	[tilespmem:s21], [sflag:$0x3] =	stream.linear.gather [hbm4b:s7+s4], $0x400, $0x38;
	[tilespmem:$0xE000] =	vst v63  }
0x25: {  	s0 =	stileid.u32;
	_ =	swait.ge [sflag:s20], $0x400  }
0x26: {  	s0 =	sshll.u32 s0, $0x6;
	[sflag:s20] =	ssyncset.done $0x0  }
0x27: {  	s31 =	sor.u32 $0x1C03, s0;
	[sflag:s20] =	ssyncadd.s32 $0xFFFFFC00  }
0x28: {  	[spmem:s22], [sflag:s31] =	dma.local [hbm:s8], $0x500  }
0x29: {  	_ =	swait.ge [sflag:s20], $0x500  }
0x2a: {  	[sflag:s20] =	ssyncset.done $0x0  }
0x2b: {  	s0 =	sshrl.u32 s9, $0x3;
	s1 =	rddreg [dreg:$0x5];
	[sflag:s20] =	ssyncadd.s32 $0xFFFFFB00  }
0x2c: {  	[spmem:s0], [sflag:s31] =	dma.local [hbm:s1], $0x500  }
0x2d: {  	_ =	swait.ge [sflag:s20], $0x500  }
0x2e: {  	[sflag:s20] =	ssyncset.done $0x0  }
0x2f: {  	[sflag:s20] =	ssyncadd.s32 $0xFFFFFB00  }
0x30: {  	[bflag:$0x0] =	sbarrier.arrive $0xFFFF  }
0x31: {  	[tilespmem:s24], [sflag:$0x1] =	stream.indirect.gather [spmem:s2], $0x10, s4, s23, $0xb8;
	[tilespmem:$0xE000] =	vst v63  }
0x32: {  	_ =	swait.ge [sflag:s25], $0x4000  }
0x33: {  	[sflag:s25] =	ssyncset.done $0x0  }
0x34: {  	[sflag:s25] =	ssyncadd.s32 $0xFFFFC000  }
0x35: {  	[tilespmem:s23], [sflag:$0x3] =	stream.linear.gather [hbm4b:s12+s4], $0x400, $0x38;
	[tilespmem:$0xE000] =	vst v63  }
0x36: {  	_ =	swait.ge [sflag:s20], $0x400  }
0x37: {  	[sflag:s20] =	ssyncset.done $0x0  }
0x38: {  	[sflag:s20] =	ssyncadd.s32 $0xFFFFFC00  }
0x39: {  	[tilespmem:s26], [sflag:$0x3] =	stream.linear.gather [hbm4b:s13+s4], $0x400, $0x38;
	[tilespmem:$0xE000] =	vst v63  }
0x3a: {  	_ =	swait.ge [sflag:s20], $0x400  }
0x3b: {  	[sflag:s20] =	ssyncset.done $0x0  }
0x3c: {  	[sflag:s20] =	ssyncadd.s32 $0xFFFFFC00  }
0x3d: {  	[tilespmem:s28], [sflag:$0x1] =	stream.indirect.gather [spmem:s2], $0x10, s23, s23, $0xb8;
	[tilespmem:$0xE000] =	vst v63  }
0x3e: {  	_ = 	snop  }
0x3f: {  	[spmem:s3] =	stream.indirect.scatter.add.f32 [tilespmem:s24], [sflag:$0x2], $0x10, s21, s23, $0xb8;
	[tilespmem:$0xE000] =	vst v63  }
0x40: {  	_ =	swait.ge [sflag:s25], $0x4000  }
0x41: {  	[sflag:s25] =	ssyncset.done $0x0  }
0x42: {  	[sflag:s25] =	ssyncadd.s32 $0xFFFFC000  }
0x43: {  	_ =	swait.ge [sflag:s29], $0x4000  }
0x44: {  	[sflag:s29] =	ssyncset.done $0x0  }
0x45: {  	[sflag:s29] =	ssyncadd.s32 $0xFFFFC000  }
0x46: {  	[tilespmem:s4], [sflag:$0x3] =	stream.linear.gather [hbm4b:s14+s4], $0x400, $0x38;
	[tilespmem:$0xE000] =	vst v63  }
0x47: {  	_ =	swait.ge [sflag:s20], $0x400  }
0x48: {  	[sflag:s20] =	ssyncset.done $0x0  }
0x49: {  	[sflag:s20] =	ssyncadd.s32 $0xFFFFFC00  }
0x4a: {  	[tilespmem:s21], [sflag:$0x3] =	stream.linear.gather [hbm4b:s15+s4], $0x400, $0x38;
	[tilespmem:$0xE000] =	vst v63  }
0x4b: {  	_ =	swait.ge [sflag:s20], $0x400  }
0x4c: {  	[sflag:s20] =	ssyncset.done $0x0  }
0x4d: {  	[sflag:s20] =	ssyncadd.s32 $0xFFFFFC00  }
0x4e: {  	[tilespmem:s24], [sflag:$0x1] =	stream.indirect.gather [spmem:s2], $0x10, s4, s23, $0xb8;
	[tilespmem:$0xE000] =	vst v63  }
0x4f: {  	s1 =	simm.s32 $0x0  }
0x50: {  	[spmem:s3] =	stream.indirect.scatter.add.f32 [tilespmem:s28], [sflag:$0x2], $0x10, s26, s23, $0xb8;
	[tilespmem:$0xE000] =	vst v63  }
.LBB2_2:
0x51: {  	_ =	swait.ge [sflag:s25], $0x4000  }
0x52: {  	[sflag:s25] =	ssyncset.done $0x0  }
0x53: {  	[sflag:s25] =	ssyncadd.s32 $0xFFFFC000  }
0x54: {  	_ =	swait.ge [sflag:s29], $0x4000  }
0x55: {  	[sflag:s29] =	ssyncset.done $0x0  }
0x56: {  	s5 =	sadd.s32 s1, s19;
	[sflag:s29] =	ssyncadd.s32 $0xFFFFC000  }
0x57: {  	[tilespmem:s23], [sflag:$0x3] =	stream.linear.gather [hbm4b:s5+s4], $0x400, $0x38;
	[tilespmem:$0xE000] =	vst v63  }
0x58: {  	_ =	swait.ge [sflag:s20], $0x400  }
0x59: {  	[sflag:s20] =	ssyncset.done $0x0  }
0x5a: {  	s5 =	sadd.s32 s1, s18;
	[sflag:s20] =	ssyncadd.s32 $0xFFFFFC00  }
0x5b: {  	[tilespmem:s26], [sflag:$0x3] =	stream.linear.gather [hbm4b:s5+s4], $0x400, $0x38;
	[tilespmem:$0xE000] =	vst v63  }
0x5c: {  	_ =	swait.ge [sflag:s20], $0x400  }
0x5d: {  	[sflag:s20] =	ssyncset.done $0x0  }
0x5e: {  	[sflag:s20] =	ssyncadd.s32 $0xFFFFFC00  }
0x5f: {  	[tilespmem:s28], [sflag:$0x1] =	stream.indirect.gather [spmem:s2], $0x10, s23, s23, $0xb8;
	[tilespmem:$0xE000] =	vst v63  }
0x60: {  	_ = 	snop  }
0x61: {  	[spmem:s3] =	stream.indirect.scatter.add.f32 [tilespmem:s24], [sflag:$0x2], $0x10, s21, s23, $0xb8;
	[tilespmem:$0xE000] =	vst v63  }
0x62: {  	p0 =	seq.s32 s1, $0x300;
	_ =	swait.ge [sflag:s25], $0x4000  }
.Ltmp2:
0x63: {  	[sflag:s25] =	ssyncset.done $0x0;
	(pc) =	sbr.rel @p0 .LBB2_4-.Ltmp2, $4  }
0x64: {  	[sflag:s25] =	ssyncadd.s32 $0xFFFFC000  }
0x65: {  	_ =	swait.ge [sflag:s29], $0x4000  }
0x66: {  	[sflag:s29] =	ssyncset.done $0x0  }
0x67: {  	[sflag:s29] =	ssyncadd.s32 $0xFFFFC000  }
0x68: {  	s5 =	sadd.s32 s1, s17  }
0x69: {  	[tilespmem:s4], [sflag:$0x3] =	stream.linear.gather [hbm4b:s5+s4], $0x400, $0x38;
	[tilespmem:$0xE000] =	vst v63  }
0x6a: {  	_ =	swait.ge [sflag:s20], $0x400  }
0x6b: {  	[sflag:s20] =	ssyncset.done $0x0  }
0x6c: {  	s5 =	sadd.s32 s1, s16;
	[sflag:s20] =	ssyncadd.s32 $0xFFFFFC00  }
0x6d: {  	[tilespmem:s21], [sflag:$0x3] =	stream.linear.gather [hbm4b:s5+s4], $0x400, $0x38;
	[tilespmem:$0xE000] =	vst v63  }
0x6e: {  	_ =	swait.ge [sflag:s20], $0x400  }
.Ltmp3:
0x6f: {  	[sflag:s20] =	ssyncset.done $0x0;
	(pc) =	sbr.rel .LBB2_2-.Ltmp3, $4  }
0x70: {  	[sflag:s20] =	ssyncadd.s32 $0xFFFFFC00  }
0x71: {  	[tilespmem:s24], [sflag:$0x1] =	stream.indirect.gather [spmem:s2], $0x10, s4, s23, $0xb8;
	[tilespmem:$0xE000] =	vst v63  }
0x72: {  	s1 =	sadd.s32 $0x100, s1  }
0x73: {  	[spmem:s3] =	stream.indirect.scatter.add.f32 [tilespmem:s28], [sflag:$0x2], $0x10, s26, s23, $0xb8;
	[tilespmem:$0xE000] =	vst v63  }
.LBB2_5:
0x74: {  	_ =	sfence.sel $0x180000  }
0x75: {  	[bflag:$0x0] =	sbarrier.arrive $0xFFFF  }
0x76: {  	_ =	strace $0x9000004D  }
0x77: {  	s0 =	stileid.u32;
	[bflag:$0x2] =	sbarrier.arrive $0xFFFF  }
0x78: {  	p0 =	sne.s32 s0, $0x0;
	s0 =	rddreg [dreg:$0x4]  }
0x79: {  	s0 =	sadd.s32 @!p0 $0x100000, s0  }
0x7a: {  	[sflag:s0] =	ssyncadd.tile.s32 @!p0 $0x1;
	_ =	shalt  }
.Lfunc_end2:
_tile_overlayer_lowered:
.L_overlay_start_2:
0x7b: {  	(tag) =	ssettag $0x2  }
0x7c: {  	s0 =	rddreg [dreg:$0x0];
	s2 =	stileid.u32  }
0x7d: {  	s1 =	rddreg [dreg:$0x1];
	p0 =	sne.s32 s2, $0x0  }
0x7e: {  	s3 =	rddreg [dreg:$0x2];
	[bflag:$0x3] =	sbarrier.arrive $0xFFFF;
	s2 =	simm.s32 @!p0 $0x1C03  }
0x7f: {  	[timem:s3], [sflag:s2] =	dma.local @!p0 [hbm:s0], s1  }
0x80: {  	s0 =	simm.s32 @!p0 $0x3  }
0x81: {  	_ =	swait.ge @!p0 [sflag:s0], s1  }
0x82: {  	s1 =	ssub.s32 @!p0 $0x0, s1;
	[sflag:s0] =	ssyncset.done @!p0 $0x0  }
0x83: {  	[sflag:s0] =	ssyncadd.s32 @!p0 s1  }
0x84: {  	[bflag:$0x3] =	sbarrier.arrive $0xFFFF  }
0x85: {  	_ =	shalt  }

</sc_bundles>
